<compile_context>
chip_gen: v7x
topology: tpu7x:2x2x1
jax: 0.10.2.dev20260603
libtpu: 0.0.44.dev20260713+nightly
codegen_flags: <defaults>
</compile_context>

<pallas_src>
import functools

import jax
import jax.numpy as jnp
from jax import lax
from jax.experimental import pallas as pl
from jax.experimental.pallas import tpu as pltpu
from jax.experimental.pallas import tpu_sc as plsc

K = 16
ROW = 128
BLK_A = 256
BLK_C = 256
NC, NS = 2, 16
CH = 128


def _topk_body(posq_ref, post_ref, sq_ref, idx_ref):
    b = pl.program_id(0)
    posq = posq_ref[0]
    post = post_ref[0]
    sq = sq_ref[0]
    n = post.shape[1]
    s = lax.dot_general(posq, post, (((1,), (0,)), ((), ())),
                        preferred_element_type=jnp.float32)
    scores = s + s - sq
    iota = lax.broadcasted_iota(jnp.int32, scores.shape, 1)
    neg = jnp.float32(-3.0e38)
    cols = []
    for _ in range(K):
        m = jnp.max(scores, axis=1, keepdims=True)
        eq = scores == m
        idxk = jnp.min(jnp.where(eq, iota, n), axis=1, keepdims=True)
        cols.append(idxk)
        scores = jnp.where(iota == idxk, neg, scores)
    idx = jnp.concatenate(cols, axis=1)
    idx_ref[0] = idx + b * n


def _topk(pos):
    b, n, _ = pos.shape
    post = jnp.transpose(pos, (0, 2, 1))
    sq = jnp.sum(pos ** 2, axis=2)[:, None, :]
    return pl.pallas_call(
        _topk_body,
        grid=(b, n // BLK_A),
        in_specs=[
            pl.BlockSpec((1, BLK_A, 3), lambda bi, i: (bi, i, 0)),
            pl.BlockSpec((1, 3, n), lambda bi, i: (bi, 0, 0)),
            pl.BlockSpec((1, 1, n), lambda bi, i: (bi, 0, 0)),
        ],
        out_specs=pl.BlockSpec((1, BLK_A, K), lambda bi, i: (bi, i, 0)),
        out_shape=jax.ShapeDtypeStruct((b, n, K), jnp.int32),
    )(pos, post, sq)


def _gather_body(tab_ref, idx_ref, out_ref, idx_v, rows_v, sem):
    wid = lax.axis_index("s") * NC + lax.axis_index("c")
    per_w = idx_ref.shape[0] // (NC * NS)
    base = wid * per_w

    def step(i, carry):
        off = pl.multiple_of(base + i * CH, 8)
        pltpu.sync_copy(idx_ref.at[pl.ds(off, CH)], idx_v)
        pltpu.async_copy(tab_ref.at[idx_v], rows_v, sem).wait()
        pltpu.sync_copy(rows_v, out_ref.at[pl.ds(off, CH)])
        return carry

    lax.fori_loop(0, per_w // CH, step, 0)


def _gather(tab, idx_flat):
    bnk = idx_flat.shape[0]
    run = functools.partial(
        pl.kernel,
        mesh=plsc.VectorSubcoreMesh(core_axis_name="c", subcore_axis_name="s"),
        out_type=jax.ShapeDtypeStruct((bnk, ROW), jnp.float32),
        scratch_types=[
            pltpu.VMEM((CH,), jnp.int32),
            pltpu.VMEM((CH, ROW), jnp.float32),
            pltpu.SemaphoreType.DMA,
        ],
    )(_gather_body)
    return run(tab, idx_flat)


def _attn_body(x_ref, pos_ref, g_ref, wp1_ref, bp1_ref, wp2_ref, bp2_ref,
               wa1_ref, ba1_ref, wa2_ref, ba2_ref, wq_ref, wk_ref, wv_ref,
               wo_ref, bo_ref, out_ref):
    xq = x_ref[0]
    posq = pos_ref[0]
    g = g_ref[0]
    d = xq.shape[1]
    wp1 = wp1_ref[...]
    bp1 = bp1_ref[...]
    bp2 = bp2_ref[...]
    ba1 = ba1_ref[...]
    ba2 = ba2_ref[...]
    q = jnp.dot(xq, wq_ref[...], preferred_element_type=jnp.float32)
    a_list, v_list = [], []
    for k in range(K):
        f = g[:, k * ROW:k * ROW + d]
        p3 = g[:, k * ROW + d:k * ROW + d + 3]
        rel = p3 - posq
        pe = (rel[:, 0:1] * wp1[0:1, :] + rel[:, 1:2] * wp1[1:2, :]
              + rel[:, 2:3] * wp1[2:3, :] + bp1)
        pe = jnp.maximum(pe, 0.0)
        pe = jnp.dot(pe, wp2_ref[...], preferred_element_type=jnp.float32) + bp2
        kk = jnp.dot(f, wk_ref[...], preferred_element_type=jnp.float32)
        vv = jnp.dot(f, wv_ref[...], preferred_element_type=jnp.float32)
        e = q - kk + pe
        a = jnp.maximum(
            jnp.dot(e, wa1_ref[...], preferred_element_type=jnp.float32) + ba1,
            0.0)
        a = jnp.dot(a, wa2_ref[...], preferred_element_type=jnp.float32) + ba2
        a_list.append(a)
        v_list.append(vv)
    mx = a_list[0]
    for a in a_list[1:]:
        mx = jnp.maximum(mx, a)
    z = None
    o = None
    for a, vv in zip(a_list, v_list):
        s = jnp.exp(a - mx)
        z = s if z is None else z + s
        o = s * vv if o is None else o + s * vv
    o = o / z
    out_ref[0] = jnp.dot(o, wo_ref[...], preferred_element_type=jnp.float32) \
        + bo_ref[...]


def _attn(x, pos, g3, wp1, bp1, wp2, bp2, wa1, ba1, wa2, ba2, wq, wk, wv,
          wo, bo):
    b, n, d = x.shape
    full = lambda a: pl.BlockSpec(a.shape, lambda bi, i: (0,) * a.ndim)
    return pl.pallas_call(
        _attn_body,
        grid=(b, n // BLK_C),
        in_specs=[
            pl.BlockSpec((1, BLK_C, d), lambda bi, i: (bi, i, 0)),
            pl.BlockSpec((1, BLK_C, 3), lambda bi, i: (bi, i, 0)),
            pl.BlockSpec((1, BLK_C, K * ROW), lambda bi, i: (bi, i, 0)),
            full(wp1), full(bp1), full(wp2), full(bp2),
            full(wa1), full(ba1), full(wa2), full(ba2),
            full(wq), full(wk), full(wv), full(wo), full(bo),
        ],
        out_specs=pl.BlockSpec((1, BLK_C, d), lambda bi, i: (bi, i, 0)),
        out_shape=jax.ShapeDtypeStruct((b, n, d), jnp.float32),
    )(x, pos, g3, wp1, bp1, wp2, bp2, wa1, ba1, wa2, ba2, wq, wk, wv, wo, bo)


def kernel(x, pos, W_pos1, b_pos1, W_pos2, b_pos2, W_attn1, b_attn1,
           W_attn2, b_attn2, Wq, Wk, Wv, Wo, bo):
    b, n, d = x.shape
    idx = _topk(pos)
    pad = jnp.zeros((b, n, ROW - d - 3), jnp.float32)
    tab = jnp.concatenate([x, pos, pad], axis=-1).reshape(b * n, ROW)
    g = _gather(tab, idx.reshape(-1))
    g3 = g.reshape(b, n, K * ROW)
    return _attn(x, pos, g3, W_pos1, b_pos1.reshape(1, d), W_pos2,
                 b_pos2.reshape(1, d), W_attn1, b_attn1.reshape(1, d),
                 W_attn2, b_attn2.reshape(1, d), Wq, Wk, Wv, Wo,
                 bo.reshape(1, d))

# --- scband reference (transcript-rebuilt; emitter-appended) ---
"""Pipeline reference for scband-point-transformer-layerv2-12309376270553 (READ-ONLY COPY).

The authoritative reference and input builder live on the scoring server;
editing this copy changes nothing except your own understanding.
"""

import jax, jax.numpy as jnp
import numpy as np

B, N, DIM, K = 4, 4096, 64, 16


def setup_inputs(seed: int = 0) -> dict:
    key = jax.random.key(seed)
    ks = jax.random.split(key, 16)
    s = 0.05
    return {
        'x': jax.random.normal(ks[0], (B, N, DIM), jnp.float32),
        'pos': jax.random.normal(ks[1], (B, N, 3), jnp.float32),
        'W_pos1': jax.random.normal(ks[2], (3, DIM), jnp.float32) * s,
        'b_pos1': jnp.zeros((DIM,), jnp.float32),
        'W_pos2': jax.random.normal(ks[3], (DIM, DIM), jnp.float32) * s,
        'b_pos2': jnp.zeros((DIM,), jnp.float32),
        'W_attn1': jax.random.normal(ks[4], (DIM, DIM), jnp.float32) * s,
        'b_attn1': jnp.zeros((DIM,), jnp.float32),
        'W_attn2': jax.random.normal(ks[5], (DIM, DIM), jnp.float32) * s,
        'b_attn2': jnp.zeros((DIM,), jnp.float32),
        'Wq': jax.random.normal(ks[6], (DIM, DIM), jnp.float32) * s,
        'Wk': jax.random.normal(ks[7], (DIM, DIM), jnp.float32) * s,
        'Wv': jax.random.normal(ks[8], (DIM, DIM), jnp.float32) * s,
        'Wo': jax.random.normal(ks[9], (DIM, DIM), jnp.float32) * s,
        'bo': jnp.zeros((DIM,), jnp.float32),
    }


def reference(x, pos, W_pos1, b_pos1, W_pos2, b_pos2, W_attn1, b_attn1,
              W_attn2, b_attn2, Wq, Wk, Wv, Wo, bo):
    # pairwise (negative squared) distances: -||pi - pj||^2
    inner = -2.0 * jnp.einsum('bnc,bmc->bnm', pos, pos)
    xx = jnp.sum(pos ** 2, axis=2, keepdims=True)
    pairwise = -xx - inner - jnp.transpose(xx, (0, 2, 1))
    # kNN indices (indices are non-differentiable, as in torch)
    _, idx = jax.lax.top_k(jax.lax.stop_gradient(pairwise), K)  # [B, N, K]
    bidx = jnp.arange(B)[:, None, None]
    knn_feat = x[bidx, idx]   # [B, N, K, DIM]
    knn_pos = pos[bidx, idx]  # [B, N, K, 3]
    # dropout_1(knn_feat) in torch is not assigned -> no-op
    rel = knn_pos - pos[:, :, None, :]
    pos_enc = jnp.maximum(rel @ W_pos1 + b_pos1, 0.0) @ W_pos2 + b_pos2
    q = (x @ Wq)[:, :, None, :]
    k_ = knn_feat @ Wk
    v = knn_feat @ Wv
    energy = q - k_ + pos_enc
    attn = jnp.maximum(energy @ W_attn1 + b_attn1, 0.0) @ W_attn2 + b_attn2
    attn = jax.nn.softmax(attn, axis=-2)
    out = jnp.sum(attn * v, axis=2)
    out = out @ Wo + bo
    return out

if __name__ == "__main__":
    import jax
    _d = setup_inputs()
    print(jax.jit(kernel)(*tuple(_d.values())))

</pallas_src>

<mosaic_0001>
#map = affine_map<(d0, d1) -> (0, 0)>
#map1 = affine_map<(d0, d1) -> (0)>
module attributes {stable_mosaic.version = 14 : i64} {
  func.func @_gather_body(%arg0: i32, %arg1: i32, %arg2: memref<16384x128xf32, #tpu.memory_space<hbm>>, %arg3: memref<262144xi32, #tpu.memory_space<hbm>>, %arg4: memref<262144x128xf32, #tpu.memory_space<hbm>>, %arg5: memref<128xi32, #tpu.memory_space<vmem>>, %arg6: memref<128x128xf32, #tpu.memory_space<vmem>>, %arg7: memref<!tpu.dma_semaphore, #tpu.memory_space<semaphore_mem>>) attributes {dimension_semantics = [#tpu.dimension_semantics<core_parallel>, #tpu.dimension_semantics<subcore_parallel>], iteration_bounds = array<i64: 2, 16>, scalar_prefetch = 0 : i64, scratch_operands = 3 : i64, tpu.core_type = #tpu.core_type<sc_vector_subcore>, window_params = [{transform_indices = #map}, {transform_indices = #map1}, {transform_indices = #map}]} {
    %mul3A = arith.constant 2 : i32
    %mul3A_0 = arith.muli %arg1, %mul3A : i32
    %add3A = arith.addi %mul3A_0, %arg0 : i32
    %mul3A_1 = arith.constant 8192 : i32
    %mul3A_2 = arith.muli %add3A, %mul3A_1 : i32
    %scan3A = arith.constant 0 : i32
    %scan3A_3 = arith.constant 0 : i32
    %scan3A_4 = arith.constant 64 : i32
    %scan3A_5 = arith.addi %scan3A_3, %scan3A_4 : i32
    %scan3A_6 = arith.constant 1 : i32
    scf.for %scan3A_8 = %scan3A_3 to %scan3A_5 step %scan3A_6  : i32 {
      %mul3A_9 = arith.constant 128 : i32
      %mul3A_10 = arith.muli %scan3A_8, %mul3A_9 : i32
      %add3A_11 = arith.addi %mul3A_2, %mul3A_10 : i32
      %multiple_of3A = tpu.assume_multiple %add3A_11, 8 : i32
      "tpu.region"() ({
        %run_scoped3A = tpu.sem_alloc : memref<!tpu.dma_semaphore, #tpu.memory_space<semaphore_mem>>
        %dma_start3A_16 = tpu.memref_slice %arg3[%multiple_of3A] : memref<262144xi32, #tpu.memory_space<hbm>> -> memref<128xi32, #tpu.memory_space<hbm>>
        %dma_start3A_17 = tpu.memref_slice %arg3[%multiple_of3A] : memref<262144xi32, #tpu.memory_space<hbm>> -> memref<128xi32, #tpu.memory_space<hbm>>
        tpu.enqueue_dma source(%dma_start3A_17 : memref<128xi32, #tpu.memory_space<hbm>>) target(%arg5 : memref<128xi32, #tpu.memory_space<vmem>>) target_semaphore(%run_scoped3A : memref<!tpu.dma_semaphore, #tpu.memory_space<semaphore_mem>>)
        %dma_wait3A_18 = tpu.memref_slice %arg3[%multiple_of3A] : memref<262144xi32, #tpu.memory_space<hbm>> -> memref<128xi32, #tpu.memory_space<hbm>>
        %dma_wait3A_19 = tpu.memref_slice %arg3[%multiple_of3A] : memref<262144xi32, #tpu.memory_space<hbm>> -> memref<128xi32, #tpu.memory_space<hbm>>
        tpu.wait_dma2 semaphore(%run_scoped3A : memref<!tpu.dma_semaphore, #tpu.memory_space<semaphore_mem>>) src(%dma_wait3A_19 : memref<128xi32, #tpu.memory_space<hbm>>) dst(%arg5 : memref<128xi32, #tpu.memory_space<vmem>>)
        tpu.yield
      }) : () -> ()
      %dma_start3A = arith.constant 0 : i32
      %dma_start3A_12 = arith.constant 0 : i32
      %dma_start3A_13 = tpu.memref_slice %arg2[%dma_start3A, %dma_start3A_12] : memref<16384x128xf32, #tpu.memory_space<hbm>> -> memref<16384x128xf32, #tpu.memory_space<hbm>>
      tpu.enqueue_indirect_dma source(%dma_start3A_13 : memref<16384x128xf32, #tpu.memory_space<hbm>>) target(%arg6 : memref<128x128xf32, #tpu.memory_space<vmem>>) offsets(%arg5 : memref<128xi32, #tpu.memory_space<vmem>>) semaphore(%arg7 : memref<!tpu.dma_semaphore, #tpu.memory_space<semaphore_mem>>)
      %dma_wait3A = arith.constant 0 : i32
      %dma_wait3A_14 = arith.constant 0 : i32
      %dma_wait3A_15 = tpu.memref_slice %arg2[%dma_wait3A, %dma_wait3A_14] : memref<16384x128xf32, #tpu.memory_space<hbm>> -> memref<16384x128xf32, #tpu.memory_space<hbm>>
      tpu.wait_indirect_dma semaphore(%arg7 : memref<!tpu.dma_semaphore, #tpu.memory_space<semaphore_mem>>) src(%dma_wait3A_15 : memref<16384x128xf32, #tpu.memory_space<hbm>>) dst(%arg6 : memref<128x128xf32, #tpu.memory_space<vmem>>)
      "tpu.region"() ({
        %run_scoped3A = tpu.sem_alloc : memref<!tpu.dma_semaphore, #tpu.memory_space<semaphore_mem>>
        %dma_start3A_16 = arith.constant 0 : i32
        %dma_start3A_17 = tpu.memref_slice %arg4[%multiple_of3A, %dma_start3A_16] : memref<262144x128xf32, #tpu.memory_space<hbm>> -> memref<128x128xf32, #tpu.memory_space<hbm>>
        %dma_start3A_18 = arith.constant 0 : i32
        %dma_start3A_19 = tpu.memref_slice %arg4[%multiple_of3A, %dma_start3A_18] : memref<262144x128xf32, #tpu.memory_space<hbm>> -> memref<128x128xf32, #tpu.memory_space<hbm>>
        tpu.enqueue_dma source(%arg6 : memref<128x128xf32, #tpu.memory_space<vmem>>) target(%dma_start3A_19 : memref<128x128xf32, #tpu.memory_space<hbm>>) target_semaphore(%run_scoped3A : memref<!tpu.dma_semaphore, #tpu.memory_space<semaphore_mem>>)
        %dma_wait3A_20 = arith.constant 0 : i32
        %dma_wait3A_21 = tpu.memref_slice %arg4[%multiple_of3A, %dma_wait3A_20] : memref<262144x128xf32, #tpu.memory_space<hbm>> -> memref<128x128xf32, #tpu.memory_space<hbm>>
        %dma_wait3A_22 = arith.constant 0 : i32
        %dma_wait3A_23 = tpu.memref_slice %arg4[%multiple_of3A, %dma_wait3A_22] : memref<262144x128xf32, #tpu.memory_space<hbm>> -> memref<128x128xf32, #tpu.memory_space<hbm>>
        tpu.wait_dma2 semaphore(%run_scoped3A : memref<!tpu.dma_semaphore, #tpu.memory_space<semaphore_mem>>) src(%arg6 : memref<128x128xf32, #tpu.memory_space<vmem>>) dst(%dma_wait3A_23 : memref<128x128xf32, #tpu.memory_space<hbm>>)
        tpu.yield
      }) : () -> ()
    }
    %scan3A_7 = arith.constant 64 : i32
    return
  }
}

module attributes {stable_mosaic.version = 14 : i64} {
  func.func @_topk_body(%arg0: i32, %arg1: i32, %arg2: memref<1x256x3xf32, #tpu.memory_space<vmem>>, %arg3: memref<1x3x4096xf32, #tpu.memory_space<vmem>>, %arg4: memref<1x1x4096xf32, #tpu.memory_space<vmem>>, %arg5: memref<1x256x16xi32, #tpu.memory_space<vmem>>) attributes {dimension_semantics = [#tpu.dimension_semantics<arbitrary>, #tpu.dimension_semantics<arbitrary>], iteration_bounds = array<i64: 4, 16>, scalar_prefetch = 0 : i64, scratch_operands = 0 : i64, tpu.core_type = #tpu.core_type<tc>, window_params = [{transform_indices = @transform_0, window_bounds = array<i64: 1, 256, 3>}, {transform_indices = @transform_1, window_bounds = array<i64: 1, 3, 4096>}, {transform_indices = @transform_2, window_bounds = array<i64: 1, 1, 4096>}, {transform_indices = @transform_3, window_bounds = array<i64: 1, 256, 16>}]} {
    %get3A = arith.constant 0 : index
    %get3A_0 = arith.constant 0 : index
    %get3A_1 = arith.constant 0 : index
    %get3A_2 = vector.load %arg2[%get3A, %get3A_0, %get3A_1] : memref<1x256x3xf32, #tpu.memory_space<vmem>>, vector<1x256x3xf32>
    %get3A_3 = vector.shape_cast %get3A_2 : vector<1x256x3xf32> to vector<256x3xf32>
    %get3A_4 = arith.constant 0 : index
    %get3A_5 = arith.constant 0 : index
    %get3A_6 = arith.constant 0 : index
    %get3A_7 = vector.load %arg3[%get3A_4, %get3A_5, %get3A_6] : memref<1x3x4096xf32, #tpu.memory_space<vmem>>, vector<1x3x4096xf32>
    %get3A_8 = vector.shape_cast %get3A_7 : vector<1x3x4096xf32> to vector<3x4096xf32>
    %get3A_9 = arith.constant 0 : index
    %get3A_10 = arith.constant 0 : index
    %get3A_11 = arith.constant 0 : index
    %get3A_12 = vector.load %arg4[%get3A_9, %get3A_10, %get3A_11] : memref<1x1x4096xf32, #tpu.memory_space<vmem>>, vector<1x1x4096xf32>
    %get3A_13 = vector.shape_cast %get3A_12 : vector<1x1x4096xf32> to vector<1x4096xf32>
    %dot_general3A = arith.constant dense<0.000000e+00> : vector<256x4096xf32>
    %dot_general3A_14 = tpu.matmul %get3A_3, %get3A_8, %dot_general3A {dimension_numbers = #tpu.dot_dimension_numbers<[1], [0], [0], [1], [0, 0, 1, 1], [], []>, transpose_lhs_hint = false} : vector<256x3xf32>, vector<3x4096xf32>, vector<256x4096xf32> -> vector<256x4096xf32>
    %add3A = arith.addf %dot_general3A_14, %dot_general3A_14 : vector<256x4096xf32>
    %sub3A = vector.broadcast %get3A_13 : vector<1x4096xf32> to vector<256x4096xf32>
    %sub3A_15 = arith.subf %add3A, %sub3A : vector<256x4096xf32>
    %iota3A = tpu.iota {dimensions = array<i32: 1>} : vector<256x4096xi32>
    %reduce_max3A = arith.constant dense<0xFF800000> : vector<256xf32>
    %reduce_max3A_16 = vector.multi_reduction <maximumf>, %sub3A_15, %reduce_max3A [1] : vector<256x4096xf32> to vector<256xf32>
    %broadcast_in_dim3A = vector.shape_cast %reduce_max3A_16 : vector<256xf32> to vector<256x1xf32>
    %eq3A = vector.broadcast %broadcast_in_dim3A : vector<256x1xf32> to vector<256x4096xf32>
    %eq3A_17 = arith.cmpf oeq, %sub3A_15, %eq3A : vector<256x4096xf32>
    %jit3A = arith.constant 4096 : i32
    %broadcast_in_dim3A_18 = vector.broadcast %jit3A : i32 to vector<256x4096xi32>
    %select_n3A = arith.select %eq3A_17, %iota3A, %broadcast_in_dim3A_18 : vector<256x4096xi1>, vector<256x4096xi32>
    %reduce_min3A = arith.constant dense<2147483647> : vector<256xi32>
    %reduce_min3A_19 = vector.multi_reduction <minsi>, %select_n3A, %reduce_min3A [1] : vector<256x4096xi32> to vector<256xi32>
    %broadcast_in_dim3A_20 = vector.shape_cast %reduce_min3A_19 : vector<256xi32> to vector<256x1xi32>
    %eq3A_21 = vector.broadcast %broadcast_in_dim3A_20 : vector<256x1xi32> to vector<256x4096xi32>
    %eq3A_22 = arith.cmpi eq, %iota3A, %eq3A_21 : vector<256x4096xi32>
    %jit3A_23 = arith.constant -3.000000e+38 : f32
    %broadcast_in_dim3A_24 = vector.broadcast %jit3A_23 : f32 to vector<256x4096xf32>
    %select_n3A_25 = arith.select %eq3A_22, %broadcast_in_dim3A_24, %sub3A_15 : vector<256x4096xi1>, vector<256x4096xf32>
    %reduce_max3A_26 = arith.constant dense<0xFF800000> : vector<256xf32>
    %reduce_max3A_27 = vector.multi_reduction <maximumf>, %select_n3A_25, %reduce_max3A_26 [1] : vector<256x4096xf32> to vector<256xf32>
    %broadcast_in_dim3A_28 = vector.shape_cast %reduce_max3A_27 : vector<256xf32> to vector<256x1xf32>
    %eq3A_29 = vector.broadcast %broadcast_in_dim3A_28 : vector<256x1xf32> to vector<256x4096xf32>
    %eq3A_30 = arith.cmpf oeq, %select_n3A_25, %eq3A_29 : vector<256x4096xf32>
    %jit3A_31 = arith.constant 4096 : i32
    %broadcast_in_dim3A_32 = vector.broadcast %jit3A_31 : i32 to vector<256x4096xi32>
    %select_n3A_33 = arith.select %eq3A_30, %iota3A, %broadcast_in_dim3A_32 : vector<256x4096xi1>, vector<256x4096xi32>
    %reduce_min3A_34 = arith.constant dense<2147483647> : vector<256xi32>
    %reduce_min3A_35 = vector.multi_reduction <minsi>, %select_n3A_33, %reduce_min3A_34 [1] : vector<256x4096xi32> to vector<256xi32>
    %broadcast_in_dim3A_36 = vector.shape_cast %reduce_min3A_35 : vector<256xi32> to vector<256x1xi32>
    %eq3A_37 = vector.broadcast %broadcast_in_dim3A_36 : vector<256x1xi32> to vector<256x4096xi32>
    %eq3A_38 = arith.cmpi eq, %iota3A, %eq3A_37 : vector<256x4096xi32>
    %jit3A_39 = arith.constant -3.000000e+38 : f32
    %broadcast_in_dim3A_40 = vector.broadcast %jit3A_39 : f32 to vector<256x4096xf32>
    %select_n3A_41 = arith.select %eq3A_38, %broadcast_in_dim3A_40, %select_n3A_25 : vector<256x4096xi1>, vector<256x4096xf32>
    %reduce_max3A_42 = arith.constant dense<0xFF800000> : vector<256xf32>
    %reduce_max3A_43 = vector.multi_reduction <maximumf>, %select_n3A_41, %reduce_max3A_42 [1] : vector<256x4096xf32> to vector<256xf32>
    %broadcast_in_dim3A_44 = vector.shape_cast %reduce_max3A_43 : vector<256xf32> to vector<256x1xf32>
    %eq3A_45 = vector.broadcast %broadcast_in_dim3A_44 : vector<256x1xf32> to vector<256x4096xf32>
    %eq3A_46 = arith.cmpf oeq, %select_n3A_41, %eq3A_45 : vector<256x4096xf32>
    %jit3A_47 = arith.constant 4096 : i32
    %broadcast_in_dim3A_48 = vector.broadcast %jit3A_47 : i32 to vector<256x4096xi32>
    %select_n3A_49 = arith.select %eq3A_46, %iota3A, %broadcast_in_dim3A_48 : vector<256x4096xi1>, vector<256x4096xi32>
    %reduce_min3A_50 = arith.constant dense<2147483647> : vector<256xi32>
    %reduce_min3A_51 = vector.multi_reduction <minsi>, %select_n3A_49, %reduce_min3A_50 [1] : vector<256x4096xi32> to vector<256xi32>
    %broadcast_in_dim3A_52 = vector.shape_cast %reduce_min3A_51 : vector<256xi32> to vector<256x1xi32>
    %eq3A_53 = vector.broadcast %broadcast_in_dim3A_52 : vector<256x1xi32> to vector<256x4096xi32>
    %eq3A_54 = arith.cmpi eq, %iota3A, %eq3A_53 : vector<256x4096xi32>
    %jit3A_55 = arith.constant -3.000000e+38 : f32
    %broadcast_in_dim3A_56 = vector.broadcast %jit3A_55 : f32 to vector<256x4096xf32>
    %select_n3A_57 = arith.select %eq3A_54, %broadcast_in_dim3A_56, %select_n3A_41 : vector<256x4096xi1>, vector<256x4096xf32>
    %reduce_max3A_58 = arith.constant dense<0xFF800000> : vector<256xf32>
    %reduce_max3A_59 = vector.multi_reduction <maximumf>, %select_n3A_57, %reduce_max3A_58 [1] : vector<256x4096xf32> to vector<256xf32>
    %broadcast_in_dim3A_60 = vector.shape_cast %reduce_max3A_59 : vector<256xf32> to vector<256x1xf32>
    %eq3A_61 = vector.broadcast %broadcast_in_dim3A_60 : vector<256x1xf32> to vector<256x4096xf32>
    %eq3A_62 = arith.cmpf oeq, %select_n3A_57, %eq3A_61 : vector<256x4096xf32>
    %jit3A_63 = arith.constant 4096 : i32
    %broadcast_in_dim3A_64 = vector.broadcast %jit3A_63 : i32 to vector<256x4096xi32>
    %select_n3A_65 = arith.select %eq3A_62, %iota3A, %broadcast_in_dim3A_64 : vector<256x4096xi1>, vector<256x4096xi32>
    %reduce_min3A_66 = arith.constant dense<2147483647> : vector<256xi32>
    %reduce_min3A_67 = vector.multi_reduction <minsi>, %select_n3A_65, %reduce_min3A_66 [1] : vector<256x4096xi32> to vector<256xi32>
    %broadcast_in_dim3A_68 = vector.shape_cast %reduce_min3A_67 : vector<256xi32> to vector<256x1xi32>
    %eq3A_69 = vector.broadcast %broadcast_in_dim3A_68 : vector<256x1xi32> to vector<256x4096xi32>
    %eq3A_70 = arith.cmpi eq, %iota3A, %eq3A_69 : vector<256x4096xi32>
    %jit3A_71 = arith.constant -3.000000e+38 : f32
    %broadcast_in_dim3A_72 = vector.broadcast %jit3A_71 : f32 to vector<256x4096xf32>
    %select_n3A_73 = arith.select %eq3A_70, %broadcast_in_dim3A_72, %select_n3A_57 : vector<256x4096xi1>, vector<256x4096xf32>
    %reduce_max3A_74 = arith.constant dense<0xFF800000> : vector<256xf32>
    %reduce_max3A_75 = vector.multi_reduction <maximumf>, %select_n3A_73, %reduce_max3A_74 [1] : vector<256x4096xf32> to vector<256xf32>
    %broadcast_in_dim3A_76 = vector.shape_cast %reduce_max3A_75 : vector<256xf32> to vector<256x1xf32>
    %eq3A_77 = vector.broadcast %broadcast_in_dim3A_76 : vector<256x1xf32> to vector<256x4096xf32>
    %eq3A_78 = arith.cmpf oeq, %select_n3A_73, %eq3A_77 : vector<256x4096xf32>
    %jit3A_79 = arith.constant 4096 : i32
    %broadcast_in_dim3A_80 = vector.broadcast %jit3A_79 : i32 to vector<256x4096xi32>
    %select_n3A_81 = arith.select %eq3A_78, %iota3A, %broadcast_in_dim3A_80 : vector<256x4096xi1>, vector<256x4096xi32>
    %reduce_min3A_82 = arith.constant dense<2147483647> : vector<256xi32>
    %reduce_min3A_83 = vector.multi_reduction <minsi>, %select_n3A_81, %reduce_min3A_82 [1] : vector<256x4096xi32> to vector<256xi32>
    %broadcast_in_dim3A_84 = vector.shape_cast %reduce_min3A_83 : vector<256xi32> to vector<256x1xi32>
    %eq3A_85 = vector.broadcast %broadcast_in_dim3A_84 : vector<256x1xi32> to vector<256x4096xi32>
    %eq3A_86 = arith.cmpi eq, %iota3A, %eq3A_85 : vector<256x4096xi32>
    %jit3A_87 = arith.constant -3.000000e+38 : f32
    %broadcast_in_dim3A_88 = vector.broadcast %jit3A_87 : f32 to vector<256x4096xf32>
    %select_n3A_89 = arith.select %eq3A_86, %broadcast_in_dim3A_88, %select_n3A_73 : vector<256x4096xi1>, vector<256x4096xf32>
    %reduce_max3A_90 = arith.constant dense<0xFF800000> : vector<256xf32>
    %reduce_max3A_91 = vector.multi_reduction <maximumf>, %select_n3A_89, %reduce_max3A_90 [1] : vector<256x4096xf32> to vector<256xf32>
    %broadcast_in_dim3A_92 = vector.shape_cast %reduce_max3A_91 : vector<256xf32> to vector<256x1xf32>
    %eq3A_93 = vector.broadcast %broadcast_in_dim3A_92 : vector<256x1xf32> to vector<256x4096xf32>
    %eq3A_94 = arith.cmpf oeq, %select_n3A_89, %eq3A_93 : vector<256x4096xf32>
    %jit3A_95 = arith.constant 4096 : i32
    %broadcast_in_dim3A_96 = vector.broadcast %jit3A_95 : i32 to vector<256x4096xi32>
    %select_n3A_97 = arith.select %eq3A_94, %iota3A, %broadcast_in_dim3A_96 : vector<256x4096xi1>, vector<256x4096xi32>
    %reduce_min3A_98 = arith.constant dense<2147483647> : vector<256xi32>
    %reduce_min3A_99 = vector.multi_reduction <minsi>, %select_n3A_97, %reduce_min3A_98 [1] : vector<256x4096xi32> to vector<256xi32>
    %broadcast_in_dim3A_100 = vector.shape_cast %reduce_min3A_99 : vector<256xi32> to vector<256x1xi32>
    %eq3A_101 = vector.broadcast %broadcast_in_dim3A_100 : vector<256x1xi32> to vector<256x4096xi32>
    %eq3A_102 = arith.cmpi eq, %iota3A, %eq3A_101 : vector<256x4096xi32>
    %jit3A_103 = arith.constant -3.000000e+38 : f32
    %broadcast_in_dim3A_104 = vector.broadcast %jit3A_103 : f32 to vector<256x4096xf32>
    %select_n3A_105 = arith.select %eq3A_102, %broadcast_in_dim3A_104, %select_n3A_89 : vector<256x4096xi1>, vector<256x4096xf32>
    %reduce_max3A_106 = arith.constant dense<0xFF800000> : vector<256xf32>
    %reduce_max3A_107 = vector.multi_reduction <maximumf>, %select_n3A_105, %reduce_max3A_106 [1] : vector<256x4096xf32> to vector<256xf32>
    %broadcast_in_dim3A_108 = vector.shape_cast %reduce_max3A_107 : vector<256xf32> to vector<256x1xf32>
    %eq3A_109 = vector.broadcast %broadcast_in_dim3A_108 : vector<256x1xf32> to vector<256x4096xf32>
    %eq3A_110 = arith.cmpf oeq, %select_n3A_105, %eq3A_109 : vector<256x4096xf32>
    %jit3A_111 = arith.constant 4096 : i32
    %broadcast_in_dim3A_112 = vector.broadcast %jit3A_111 : i32 to vector<256x4096xi32>
    %select_n3A_113 = arith.select %eq3A_110, %iota3A, %broadcast_in_dim3A_112 : vector<256x4096xi1>, vector<256x4096xi32>
    %reduce_min3A_114 = arith.constant dense<2147483647> : vector<256xi32>
    %reduce_min3A_115 = vector.multi_reduction <minsi>, %select_n3A_113, %reduce_min3A_114 [1] : vector<256x4096xi32> to vector<256xi32>
    %broadcast_in_dim3A_116 = vector.shape_cast %reduce_min3A_115 : vector<256xi32> to vector<256x1xi32>
    %eq3A_117 = vector.broadcast %broadcast_in_dim3A_116 : vector<256x1xi32> to vector<256x4096xi32>
    %eq3A_118 = arith.cmpi eq, %iota3A, %eq3A_117 : vector<256x4096xi32>
    %jit3A_119 = arith.constant -3.000000e+38 : f32
    %broadcast_in_dim3A_120 = vector.broadcast %jit3A_119 : f32 to vector<256x4096xf32>
    %select_n3A_121 = arith.select %eq3A_118, %broadcast_in_dim3A_120, %select_n3A_105 : vector<256x4096xi1>, vector<256x4096xf32>
    %reduce_max3A_122 = arith.constant dense<0xFF800000> : vector<256xf32>
    %reduce_max3A_123 = vector.multi_reduction <maximumf>, %select_n3A_121, %reduce_max3A_122 [1] : vector<256x4096xf32> to vector<256xf32>
    %broadcast_in_dim3A_124 = vector.shape_cast %reduce_max3A_123 : vector<256xf32> to vector<256x1xf32>
    %eq3A_125 = vector.broadcast %broadcast_in_dim3A_124 : vector<256x1xf32> to vector<256x4096xf32>
    %eq3A_126 = arith.cmpf oeq, %select_n3A_121, %eq3A_125 : vector<256x4096xf32>
    %jit3A_127 = arith.constant 4096 : i32
    %broadcast_in_dim3A_128 = vector.broadcast %jit3A_127 : i32 to vector<256x4096xi32>
    %select_n3A_129 = arith.select %eq3A_126, %iota3A, %broadcast_in_dim3A_128 : vector<256x4096xi1>, vector<256x4096xi32>
    %reduce_min3A_130 = arith.constant dense<2147483647> : vector<256xi32>
    %reduce_min3A_131 = vector.multi_reduction <minsi>, %select_n3A_129, %reduce_min3A_130 [1] : vector<256x4096xi32> to vector<256xi32>
    %broadcast_in_dim3A_132 = vector.shape_cast %reduce_min3A_131 : vector<256xi32> to vector<256x1xi32>
    %eq3A_133 = vector.broadcast %broadcast_in_dim3A_132 : vector<256x1xi32> to vector<256x4096xi32>
    %eq3A_134 = arith.cmpi eq, %iota3A, %eq3A_133 : vector<256x4096xi32>
    %jit3A_135 = arith.constant -3.000000e+38 : f32
    %broadcast_in_dim3A_136 = vector.broadcast %jit3A_135 : f32 to vector<256x4096xf32>
    %select_n3A_137 = arith.select %eq3A_134, %broadcast_in_dim3A_136, %select_n3A_121 : vector<256x4096xi1>, vector<256x4096xf32>
    %reduce_max3A_138 = arith.constant dense<0xFF800000> : vector<256xf32>
    %reduce_max3A_139 = vector.multi_reduction <maximumf>, %select_n3A_137, %reduce_max3A_138 [1] : vector<256x4096xf32> to vector<256xf32>
    %broadcast_in_dim3A_140 = vector.shape_cast %reduce_max3A_139 : vector<256xf32> to vector<256x1xf32>
    %eq3A_141 = vector.broadcast %broadcast_in_dim3A_140 : vector<256x1xf32> to vector<256x4096xf32>
    %eq3A_142 = arith.cmpf oeq, %select_n3A_137, %eq3A_141 : vector<256x4096xf32>
    %jit3A_143 = arith.constant 4096 : i32
    %broadcast_in_dim3A_144 = vector.broadcast %jit3A_143 : i32 to vector<256x4096xi32>
    %select_n3A_145 = arith.select %eq3A_142, %iota3A, %broadcast_in_dim3A_144 : vector<256x4096xi1>, vector<256x4096xi32>
    %reduce_min3A_146 = arith.constant dense<2147483647> : vector<256xi32>
    %reduce_min3A_147 = vector.multi_reduction <minsi>, %select_n3A_145, %reduce_min3A_146 [1] : vector<256x4096xi32> to vector<256xi32>
    %broadcast_in_dim3A_148 = vector.shape_cast %reduce_min3A_147 : vector<256xi32> to vector<256x1xi32>
    %eq3A_149 = vector.broadcast %broadcast_in_dim3A_148 : vector<256x1xi32> to vector<256x4096xi32>
    %eq3A_150 = arith.cmpi eq, %iota3A, %eq3A_149 : vector<256x4096xi32>
    %jit3A_151 = arith.constant -3.000000e+38 : f32
    %broadcast_in_dim3A_152 = vector.broadcast %jit3A_151 : f32 to vector<256x4096xf32>
    %select_n3A_153 = arith.select %eq3A_150, %broadcast_in_dim3A_152, %select_n3A_137 : vector<256x4096xi1>, vector<256x4096xf32>
    %reduce_max3A_154 = arith.constant dense<0xFF800000> : vector<256xf32>
    %reduce_max3A_155 = vector.multi_reduction <maximumf>, %select_n3A_153, %reduce_max3A_154 [1] : vector<256x4096xf32> to vector<256xf32>
    %broadcast_in_dim3A_156 = vector.shape_cast %reduce_max3A_155 : vector<256xf32> to vector<256x1xf32>
    %eq3A_157 = vector.broadcast %broadcast_in_dim3A_156 : vector<256x1xf32> to vector<256x4096xf32>
    %eq3A_158 = arith.cmpf oeq, %select_n3A_153, %eq3A_157 : vector<256x4096xf32>
    %jit3A_159 = arith.constant 4096 : i32
    %broadcast_in_dim3A_160 = vector.broadcast %jit3A_159 : i32 to vector<256x4096xi32>
    %select_n3A_161 = arith.select %eq3A_158, %iota3A, %broadcast_in_dim3A_160 : vector<256x4096xi1>, vector<256x4096xi32>
    %reduce_min3A_162 = arith.constant dense<2147483647> : vector<256xi32>
    %reduce_min3A_163 = vector.multi_reduction <minsi>, %select_n3A_161, %reduce_min3A_162 [1] : vector<256x4096xi32> to vector<256xi32>
    %broadcast_in_dim3A_164 = vector.shape_cast %reduce_min3A_163 : vector<256xi32> to vector<256x1xi32>
    %eq3A_165 = vector.broadcast %broadcast_in_dim3A_164 : vector<256x1xi32> to vector<256x4096xi32>
    %eq3A_166 = arith.cmpi eq, %iota3A, %eq3A_165 : vector<256x4096xi32>
    %jit3A_167 = arith.constant -3.000000e+38 : f32
    %broadcast_in_dim3A_168 = vector.broadcast %jit3A_167 : f32 to vector<256x4096xf32>
    %select_n3A_169 = arith.select %eq3A_166, %broadcast_in_dim3A_168, %select_n3A_153 : vector<256x4096xi1>, vector<256x4096xf32>
    %reduce_max3A_170 = arith.constant dense<0xFF800000> : vector<256xf32>
    %reduce_max3A_171 = vector.multi_reduction <maximumf>, %select_n3A_169, %reduce_max3A_170 [1] : vector<256x4096xf32> to vector<256xf32>
    %broadcast_in_dim3A_172 = vector.shape_cast %reduce_max3A_171 : vector<256xf32> to vector<256x1xf32>
    %eq3A_173 = vector.broadcast %broadcast_in_dim3A_172 : vector<256x1xf32> to vector<256x4096xf32>
    %eq3A_174 = arith.cmpf oeq, %select_n3A_169, %eq3A_173 : vector<256x4096xf32>
    %jit3A_175 = arith.constant 4096 : i32
    %broadcast_in_dim3A_176 = vector.broadcast %jit3A_175 : i32 to vector<256x4096xi32>
    %select_n3A_177 = arith.select %eq3A_174, %iota3A, %broadcast_in_dim3A_176 : vector<256x4096xi1>, vector<256x4096xi32>
    %reduce_min3A_178 = arith.constant dense<2147483647> : vector<256xi32>
    %reduce_min3A_179 = vector.multi_reduction <minsi>, %select_n3A_177, %reduce_min3A_178 [1] : vector<256x4096xi32> to vector<256xi32>
    %broadcast_in_dim3A_180 = vector.shape_cast %reduce_min3A_179 : vector<256xi32> to vector<256x1xi32>
    %eq3A_181 = vector.broadcast %broadcast_in_dim3A_180 : vector<256x1xi32> to vector<256x4096xi32>
    %eq3A_182 = arith.cmpi eq, %iota3A, %eq3A_181 : vector<256x4096xi32>
    %jit3A_183 = arith.constant -3.000000e+38 : f32
    %broadcast_in_dim3A_184 = vector.broadcast %jit3A_183 : f32 to vector<256x4096xf32>
    %select_n3A_185 = arith.select %eq3A_182, %broadcast_in_dim3A_184, %select_n3A_169 : vector<256x4096xi1>, vector<256x4096xf32>
    %reduce_max3A_186 = arith.constant dense<0xFF800000> : vector<256xf32>
    %reduce_max3A_187 = vector.multi_reduction <maximumf>, %select_n3A_185, %reduce_max3A_186 [1] : vector<256x4096xf32> to vector<256xf32>
    %broadcast_in_dim3A_188 = vector.shape_cast %reduce_max3A_187 : vector<256xf32> to vector<256x1xf32>
    %eq3A_189 = vector.broadcast %broadcast_in_dim3A_188 : vector<256x1xf32> to vector<256x4096xf32>
    %eq3A_190 = arith.cmpf oeq, %select_n3A_185, %eq3A_189 : vector<256x4096xf32>
    %jit3A_191 = arith.constant 4096 : i32
    %broadcast_in_dim3A_192 = vector.broadcast %jit3A_191 : i32 to vector<256x4096xi32>
    %select_n3A_193 = arith.select %eq3A_190, %iota3A, %broadcast_in_dim3A_192 : vector<256x4096xi1>, vector<256x4096xi32>
    %reduce_min3A_194 = arith.constant dense<2147483647> : vector<256xi32>
    %reduce_min3A_195 = vector.multi_reduction <minsi>, %select_n3A_193, %reduce_min3A_194 [1] : vector<256x4096xi32> to vector<256xi32>
    %broadcast_in_dim3A_196 = vector.shape_cast %reduce_min3A_195 : vector<256xi32> to vector<256x1xi32>
    %eq3A_197 = vector.broadcast %broadcast_in_dim3A_196 : vector<256x1xi32> to vector<256x4096xi32>
    %eq3A_198 = arith.cmpi eq, %iota3A, %eq3A_197 : vector<256x4096xi32>
    %jit3A_199 = arith.constant -3.000000e+38 : f32
    %broadcast_in_dim3A_200 = vector.broadcast %jit3A_199 : f32 to vector<256x4096xf32>
    %select_n3A_201 = arith.select %eq3A_198, %broadcast_in_dim3A_200, %select_n3A_185 : vector<256x4096xi1>, vector<256x4096xf32>
    %reduce_max3A_202 = arith.constant dense<0xFF800000> : vector<256xf32>
    %reduce_max3A_203 = vector.multi_reduction <maximumf>, %select_n3A_201, %reduce_max3A_202 [1] : vector<256x4096xf32> to vector<256xf32>
    %broadcast_in_dim3A_204 = vector.shape_cast %reduce_max3A_203 : vector<256xf32> to vector<256x1xf32>
    %eq3A_205 = vector.broadcast %broadcast_in_dim3A_204 : vector<256x1xf32> to vector<256x4096xf32>
    %eq3A_206 = arith.cmpf oeq, %select_n3A_201, %eq3A_205 : vector<256x4096xf32>
    %jit3A_207 = arith.constant 4096 : i32
    %broadcast_in_dim3A_208 = vector.broadcast %jit3A_207 : i32 to vector<256x4096xi32>
    %select_n3A_209 = arith.select %eq3A_206, %iota3A, %broadcast_in_dim3A_208 : vector<256x4096xi1>, vector<256x4096xi32>
    %reduce_min3A_210 = arith.constant dense<2147483647> : vector<256xi32>
    %reduce_min3A_211 = vector.multi_reduction <minsi>, %select_n3A_209, %reduce_min3A_210 [1] : vector<256x4096xi32> to vector<256xi32>
    %broadcast_in_dim3A_212 = vector.shape_cast %reduce_min3A_211 : vector<256xi32> to vector<256x1xi32>
    %eq3A_213 = vector.broadcast %broadcast_in_dim3A_212 : vector<256x1xi32> to vector<256x4096xi32>
    %eq3A_214 = arith.cmpi eq, %iota3A, %eq3A_213 : vector<256x4096xi32>
    %jit3A_215 = arith.constant -3.000000e+38 : f32
    %broadcast_in_dim3A_216 = vector.broadcast %jit3A_215 : f32 to vector<256x4096xf32>
    %select_n3A_217 = arith.select %eq3A_214, %broadcast_in_dim3A_216, %select_n3A_201 : vector<256x4096xi1>, vector<256x4096xf32>
    %reduce_max3A_218 = arith.constant dense<0xFF800000> : vector<256xf32>
    %reduce_max3A_219 = vector.multi_reduction <maximumf>, %select_n3A_217, %reduce_max3A_218 [1] : vector<256x4096xf32> to vector<256xf32>
    %broadcast_in_dim3A_220 = vector.shape_cast %reduce_max3A_219 : vector<256xf32> to vector<256x1xf32>
    %eq3A_221 = vector.broadcast %broadcast_in_dim3A_220 : vector<256x1xf32> to vector<256x4096xf32>
    %eq3A_222 = arith.cmpf oeq, %select_n3A_217, %eq3A_221 : vector<256x4096xf32>
    %jit3A_223 = arith.constant 4096 : i32
    %broadcast_in_dim3A_224 = vector.broadcast %jit3A_223 : i32 to vector<256x4096xi32>
    %select_n3A_225 = arith.select %eq3A_222, %iota3A, %broadcast_in_dim3A_224 : vector<256x4096xi1>, vector<256x4096xi32>
    %reduce_min3A_226 = arith.constant dense<2147483647> : vector<256xi32>
    %reduce_min3A_227 = vector.multi_reduction <minsi>, %select_n3A_225, %reduce_min3A_226 [1] : vector<256x4096xi32> to vector<256xi32>
    %broadcast_in_dim3A_228 = vector.shape_cast %reduce_min3A_227 : vector<256xi32> to vector<256x1xi32>
    %eq3A_229 = vector.broadcast %broadcast_in_dim3A_228 : vector<256x1xi32> to vector<256x4096xi32>
    %eq3A_230 = arith.cmpi eq, %iota3A, %eq3A_229 : vector<256x4096xi32>
    %jit3A_231 = arith.constant -3.000000e+38 : f32
    %broadcast_in_dim3A_232 = vector.broadcast %jit3A_231 : f32 to vector<256x4096xf32>
    %select_n3A_233 = arith.select %eq3A_230, %broadcast_in_dim3A_232, %select_n3A_217 : vector<256x4096xi1>, vector<256x4096xf32>
    %reduce_max3A_234 = arith.constant dense<0xFF800000> : vector<256xf32>
    %reduce_max3A_235 = vector.multi_reduction <maximumf>, %select_n3A_233, %reduce_max3A_234 [1] : vector<256x4096xf32> to vector<256xf32>
    %broadcast_in_dim3A_236 = vector.shape_cast %reduce_max3A_235 : vector<256xf32> to vector<256x1xf32>
    %eq3A_237 = vector.broadcast %broadcast_in_dim3A_236 : vector<256x1xf32> to vector<256x4096xf32>
    %eq3A_238 = arith.cmpf oeq, %select_n3A_233, %eq3A_237 : vector<256x4096xf32>
    %jit3A_239 = arith.constant 4096 : i32
    %broadcast_in_dim3A_240 = vector.broadcast %jit3A_239 : i32 to vector<256x4096xi32>
    %select_n3A_241 = arith.select %eq3A_238, %iota3A, %broadcast_in_dim3A_240 : vector<256x4096xi1>, vector<256x4096xi32>
    %reduce_min3A_242 = arith.constant dense<2147483647> : vector<256xi32>
    %reduce_min3A_243 = vector.multi_reduction <minsi>, %select_n3A_241, %reduce_min3A_242 [1] : vector<256x4096xi32> to vector<256xi32>
    %broadcast_in_dim3A_244 = vector.shape_cast %reduce_min3A_243 : vector<256xi32> to vector<256x1xi32>
    %eq3A_245 = vector.broadcast %broadcast_in_dim3A_244 : vector<256x1xi32> to vector<256x4096xi32>
    %eq3A_246 = arith.cmpi eq, %iota3A, %eq3A_245 : vector<256x4096xi32>
    %jit3A_247 = arith.constant -3.000000e+38 : f32
    %broadcast_in_dim3A_248 = vector.broadcast %jit3A_247 : f32 to vector<256x4096xf32>
    %select_n3A_249 = arith.select %eq3A_246, %broadcast_in_dim3A_248, %select_n3A_233 : vector<256x4096xi1>, vector<256x4096xf32>
    %reduce_max3A_250 = arith.constant dense<0xFF800000> : vector<256xf32>
    %reduce_max3A_251 = vector.multi_reduction <maximumf>, %select_n3A_249, %reduce_max3A_250 [1] : vector<256x4096xf32> to vector<256xf32>
    %broadcast_in_dim3A_252 = vector.shape_cast %reduce_max3A_251 : vector<256xf32> to vector<256x1xf32>
    %eq3A_253 = vector.broadcast %broadcast_in_dim3A_252 : vector<256x1xf32> to vector<256x4096xf32>
    %eq3A_254 = arith.cmpf oeq, %select_n3A_249, %eq3A_253 : vector<256x4096xf32>
    %jit3A_255 = arith.constant 4096 : i32
    %broadcast_in_dim3A_256 = vector.broadcast %jit3A_255 : i32 to vector<256x4096xi32>
    %select_n3A_257 = arith.select %eq3A_254, %iota3A, %broadcast_in_dim3A_256 : vector<256x4096xi1>, vector<256x4096xi32>
    %reduce_min3A_258 = arith.constant dense<2147483647> : vector<256xi32>
    %reduce_min3A_259 = vector.multi_reduction <minsi>, %select_n3A_257, %reduce_min3A_258 [1] : vector<256x4096xi32> to vector<256xi32>
    %broadcast_in_dim3A_260 = vector.shape_cast %reduce_min3A_259 : vector<256xi32> to vector<256x1xi32>
    %concatenate3A = tpu.concatenate %broadcast_in_dim3A_20, %broadcast_in_dim3A_36, %broadcast_in_dim3A_52, %broadcast_in_dim3A_68, %broadcast_in_dim3A_84, %broadcast_in_dim3A_100, %broadcast_in_dim3A_116, %broadcast_in_dim3A_132, %broadcast_in_dim3A_148, %broadcast_in_dim3A_164, %broadcast_in_dim3A_180, %broadcast_in_dim3A_196, %broadcast_in_dim3A_212, %broadcast_in_dim3A_228, %broadcast_in_dim3A_244, %broadcast_in_dim3A_260 in 1 : vector<256x1xi32>, vector<256x1xi32>, vector<256x1xi32>, vector<256x1xi32>, vector<256x1xi32>, vector<256x1xi32>, vector<256x1xi32>, vector<256x1xi32>, vector<256x1xi32>, vector<256x1xi32>, vector<256x1xi32>, vector<256x1xi32>, vector<256x1xi32>, vector<256x1xi32>, vector<256x1xi32>, vector<256x1xi32> -> vector<256x16xi32>
    %mul3A = arith.constant 4096 : i32
    %mul3A_261 = arith.muli %arg0, %mul3A : i32
    %add3A_262 = vector.broadcast %mul3A_261 : i32 to vector<256x16xi32>
    %add3A_263 = arith.addi %concatenate3A, %add3A_262 : vector<256x16xi32>
    %swap3A = arith.constant 0 : index
    %swap3A_264 = arith.constant 0 : index
    %swap3A_265 = arith.constant 0 : index
    %swap3A_266 = vector.load %arg5[%swap3A, %swap3A_264, %swap3A_265] : memref<1x256x16xi32, #tpu.memory_space<vmem>>, vector<1x256x16xi32>
    %swap3A_267 = vector.shape_cast %swap3A_266 : vector<1x256x16xi32> to vector<256x16xi32>
    %swap3A_268 = vector.shape_cast %add3A_263 : vector<256x16xi32> to vector<1x256x16xi32>
    tpu.vector_store %arg5[%swap3A, %swap3A_264, %swap3A_265], %swap3A_268 {strides = array<i32>} : memref<1x256x16xi32, #tpu.memory_space<vmem>>, vector<1x256x16xi32>,
    return
  }
  func.func @transform_0(%arg0: i32, %arg1: i32) -> (i32, i32, i32) {
    %c0_i32 = arith.constant 0 : i32
    %c0_i32_0 = arith.constant 0 : i32
    return %arg0, %arg1, %c0_i32 : i32, i32, i32
  }
  func.func @transform_1(%arg0: i32, %arg1: i32) -> (i32, i32, i32) {
    %c0_i32 = arith.constant 0 : i32
    %c0_i32_0 = arith.constant 0 : i32
    %c0_i32_1 = arith.constant 0 : i32
    return %arg0, %c0_i32, %c0_i32_0 : i32, i32, i32
  }
  func.func @transform_2(%arg0: i32, %arg1: i32) -> (i32, i32, i32) {
    %c0_i32 = arith.constant 0 : i32
    %c0_i32_0 = arith.constant 0 : i32
    %c0_i32_1 = arith.constant 0 : i32
    return %arg0, %c0_i32, %c0_i32_0 : i32, i32, i32
  }
  func.func @transform_3(%arg0: i32, %arg1: i32) -> (i32, i32, i32) {
    %c0_i32 = arith.constant 0 : i32
    %c0_i32_0 = arith.constant 0 : i32
    return %arg0, %arg1, %c0_i32 : i32, i32, i32
  }
}

module attributes {stable_mosaic.version = 14 : i64} {
  func.func @_attn_body(%arg0: i32, %arg1: i32, %arg2: memref<1x256x64xf32, #tpu.memory_space<vmem>>, %arg3: memref<1x256x3xf32, #tpu.memory_space<vmem>>, %arg4: memref<1x256x2048xf32, #tpu.memory_space<vmem>>, %arg5: memref<3x64xf32, #tpu.memory_space<vmem>>, %arg6: memref<1x64xf32, #tpu.memory_space<vmem>>, %arg7: memref<64x64xf32, #tpu.memory_space<vmem>>, %arg8: memref<1x64xf32, #tpu.memory_space<vmem>>, %arg9: memref<64x64xf32, #tpu.memory_space<vmem>>, %arg10: memref<1x64xf32, #tpu.memory_space<vmem>>, %arg11: memref<64x64xf32, #tpu.memory_space<vmem>>, %arg12: memref<1x64xf32, #tpu.memory_space<vmem>>, %arg13: memref<64x64xf32, #tpu.memory_space<vmem>>, %arg14: memref<64x64xf32, #tpu.memory_space<vmem>>, %arg15: memref<64x64xf32, #tpu.memory_space<vmem>>, %arg16: memref<64x64xf32, #tpu.memory_space<vmem>>, %arg17: memref<1x64xf32, #tpu.memory_space<vmem>>, %arg18: memref<1x256x64xf32, #tpu.memory_space<vmem>>) attributes {dimension_semantics = [#tpu.dimension_semantics<arbitrary>, #tpu.dimension_semantics<arbitrary>], iteration_bounds = array<i64: 4, 16>, scalar_prefetch = 0 : i64, scratch_operands = 0 : i64, tpu.core_type = #tpu.core_type<tc>, window_params = [{transform_indices = @transform_0, window_bounds = array<i64: 1, 256, 64>}, {transform_indices = @transform_1, window_bounds = array<i64: 1, 256, 3>}, {transform_indices = @transform_2, window_bounds = array<i64: 1, 256, 2048>}, {pipeline_mode = #tpu.pipeline_mode<synchronous>, transform_indices = @transform_3, window_bounds = array<i64: 3, 64>}, {pipeline_mode = #tpu.pipeline_mode<synchronous>, transform_indices = @transform_4, window_bounds = array<i64: 1, 64>}, {pipeline_mode = #tpu.pipeline_mode<synchronous>, transform_indices = @transform_5, window_bounds = array<i64: 64, 64>}, {pipeline_mode = #tpu.pipeline_mode<synchronous>, transform_indices = @transform_6, window_bounds = array<i64: 1, 64>}, {pipeline_mode = #tpu.pipeline_mode<synchronous>, transform_indices = @transform_7, window_bounds = array<i64: 64, 64>}, {pipeline_mode = #tpu.pipeline_mode<synchronous>, transform_indices = @transform_8, window_bounds = array<i64: 1, 64>}, {pipeline_mode = #tpu.pipeline_mode<synchronous>, transform_indices = @transform_9, window_bounds = array<i64: 64, 64>}, {pipeline_mode = #tpu.pipeline_mode<synchronous>, transform_indices = @transform_10, window_bounds = array<i64: 1, 64>}, {pipeline_mode = #tpu.pipeline_mode<synchronous>, transform_indices = @transform_11, window_bounds = array<i64: 64, 64>}, {pipeline_mode = #tpu.pipeline_mode<synchronous>, transform_indices = @transform_12, window_bounds = array<i64: 64, 64>}, {pipeline_mode = #tpu.pipeline_mode<synchronous>, transform_indices = @transform_13, window_bounds = array<i64: 64, 64>}, {pipeline_mode = #tpu.pipeline_mode<synchronous>, transform_indices = @transform_14, window_bounds = array<i64: 64, 64>}, {pipeline_mode = #tpu.pipeline_mode<synchronous>, transform_indices = @transform_15, window_bounds = array<i64: 1, 64>}, {transform_indices = @transform_16, window_bounds = array<i64: 1, 256, 64>}]} {
    %get3A = arith.constant 0 : index
    %get3A_0 = arith.constant 0 : index
    %get3A_1 = arith.constant 0 : index
    %get3A_2 = vector.load %arg2[%get3A, %get3A_0, %get3A_1] : memref<1x256x64xf32, #tpu.memory_space<vmem>>, vector<1x256x64xf32>
    %get3A_3 = vector.shape_cast %get3A_2 : vector<1x256x64xf32> to vector<256x64xf32>
    %get3A_4 = arith.constant 0 : index
    %get3A_5 = arith.constant 0 : index
    %get3A_6 = arith.constant 0 : index
    %get3A_7 = vector.load %arg3[%get3A_4, %get3A_5, %get3A_6] : memref<1x256x3xf32, #tpu.memory_space<vmem>>, vector<1x256x3xf32>
    %get3A_8 = vector.shape_cast %get3A_7 : vector<1x256x3xf32> to vector<256x3xf32>
    %get3A_9 = arith.constant 0 : index
    %get3A_10 = arith.constant 0 : index
    %get3A_11 = arith.constant 0 : index
    %get3A_12 = vector.load %arg4[%get3A_9, %get3A_10, %get3A_11] : memref<1x256x2048xf32, #tpu.memory_space<vmem>>, vector<1x256x2048xf32>
    %get3A_13 = vector.shape_cast %get3A_12 : vector<1x256x2048xf32> to vector<256x2048xf32>
    %get3A_14 = arith.constant 0 : index
    %get3A_15 = arith.constant 0 : index
    %get3A_16 = vector.load %arg5[%get3A_14, %get3A_15] : memref<3x64xf32, #tpu.memory_space<vmem>>, vector<3x64xf32>
    %get3A_17 = arith.constant 0 : index
    %get3A_18 = arith.constant 0 : index
    %get3A_19 = vector.load %arg6[%get3A_17, %get3A_18] : memref<1x64xf32, #tpu.memory_space<vmem>>, vector<1x64xf32>
    %get3A_20 = arith.constant 0 : index
    %get3A_21 = arith.constant 0 : index
    %get3A_22 = vector.load %arg8[%get3A_20, %get3A_21] : memref<1x64xf32, #tpu.memory_space<vmem>>, vector<1x64xf32>
    %get3A_23 = arith.constant 0 : index
    %get3A_24 = arith.constant 0 : index
    %get3A_25 = vector.load %arg10[%get3A_23, %get3A_24] : memref<1x64xf32, #tpu.memory_space<vmem>>, vector<1x64xf32>
    %get3A_26 = arith.constant 0 : index
    %get3A_27 = arith.constant 0 : index
    %get3A_28 = vector.load %arg12[%get3A_26, %get3A_27] : memref<1x64xf32, #tpu.memory_space<vmem>>, vector<1x64xf32>
    %get3A_29 = arith.constant 0 : index
    %get3A_30 = arith.constant 0 : index
    %get3A_31 = vector.load %arg13[%get3A_29, %get3A_30] : memref<64x64xf32, #tpu.memory_space<vmem>>, vector<64x64xf32>
    %dot_general3A = arith.constant dense<0.000000e+00> : vector<256x64xf32>
    %dot_general3A_32 = tpu.matmul %get3A_3, %get3A_31, %dot_general3A {dimension_numbers = #tpu.dot_dimension_numbers<[1], [0], [0], [1], [0, 0, 1, 1], [], []>, transpose_lhs_hint = false} : vector<256x64xf32>, vector<64x64xf32>, vector<256x64xf32> -> vector<256x64xf32>
    %slice3A = vector.extract_strided_slice %get3A_13 {offsets = [0, 0], sizes = [256, 64], strides = [1, 1]} : vector<256x2048xf32> to vector<256x64xf32>
    %slice3A_33 = vector.extract_strided_slice %get3A_13 {offsets = [0, 64], sizes = [256, 3], strides = [1, 1]} : vector<256x2048xf32> to vector<256x3xf32>
    %sub3A = arith.subf %slice3A_33, %get3A_8 : vector<256x3xf32>
    %slice3A_34 = vector.extract_strided_slice %sub3A {offsets = [0, 0], sizes = [256, 1], strides = [1, 1]} : vector<256x3xf32> to vector<256x1xf32>
    %slice3A_35 = vector.extract_strided_slice %get3A_16 {offsets = [0, 0], sizes = [1, 64], strides = [1, 1]} : vector<3x64xf32> to vector<1x64xf32>
    %mul3A = vector.broadcast %slice3A_34 : vector<256x1xf32> to vector<256x64xf32>
    %mul3A_36 = vector.broadcast %slice3A_35 : vector<1x64xf32> to vector<256x64xf32>
    %mul3A_37 = arith.mulf %mul3A, %mul3A_36 : vector<256x64xf32>
    %slice3A_38 = vector.extract_strided_slice %sub3A {offsets = [0, 1], sizes = [256, 1], strides = [1, 1]} : vector<256x3xf32> to vector<256x1xf32>
    %slice3A_39 = vector.extract_strided_slice %get3A_16 {offsets = [1, 0], sizes = [1, 64], strides = [1, 1]} : vector<3x64xf32> to vector<1x64xf32>
    %mul3A_40 = vector.broadcast %slice3A_38 : vector<256x1xf32> to vector<256x64xf32>
    %mul3A_41 = vector.broadcast %slice3A_39 : vector<1x64xf32> to vector<256x64xf32>
    %mul3A_42 = arith.mulf %mul3A_40, %mul3A_41 : vector<256x64xf32>
    %add3A = arith.addf %mul3A_37, %mul3A_42 : vector<256x64xf32>
    %slice3A_43 = vector.extract_strided_slice %sub3A {offsets = [0, 2], sizes = [256, 1], strides = [1, 1]} : vector<256x3xf32> to vector<256x1xf32>
    %slice3A_44 = vector.extract_strided_slice %get3A_16 {offsets = [2, 0], sizes = [1, 64], strides = [1, 1]} : vector<3x64xf32> to vector<1x64xf32>
    %mul3A_45 = vector.broadcast %slice3A_43 : vector<256x1xf32> to vector<256x64xf32>
    %mul3A_46 = vector.broadcast %slice3A_44 : vector<1x64xf32> to vector<256x64xf32>
    %mul3A_47 = arith.mulf %mul3A_45, %mul3A_46 : vector<256x64xf32>
    %add3A_48 = arith.addf %add3A, %mul3A_47 : vector<256x64xf32>
    %add3A_49 = vector.broadcast %get3A_19 : vector<1x64xf32> to vector<256x64xf32>
    %add3A_50 = arith.addf %add3A_48, %add3A_49 : vector<256x64xf32>
    %max3A = arith.constant 0.000000e+00 : f32
    %max3A_51 = vector.broadcast %max3A : f32 to vector<256x64xf32>
    %max3A_52 = arith.maximumf %add3A_50, %max3A_51 : vector<256x64xf32>
    %get3A_53 = arith.constant 0 : index
    %get3A_54 = arith.constant 0 : index
    %get3A_55 = vector.load %arg7[%get3A_53, %get3A_54] : memref<64x64xf32, #tpu.memory_space<vmem>>, vector<64x64xf32>
    %dot_general3A_56 = arith.constant dense<0.000000e+00> : vector<256x64xf32>
    %dot_general3A_57 = tpu.matmul %max3A_52, %get3A_55, %dot_general3A_56 {dimension_numbers = #tpu.dot_dimension_numbers<[1], [0], [0], [1], [0, 0, 1, 1], [], []>, transpose_lhs_hint = false} : vector<256x64xf32>, vector<64x64xf32>, vector<256x64xf32> -> vector<256x64xf32>
    %add3A_58 = vector.broadcast %get3A_22 : vector<1x64xf32> to vector<256x64xf32>
    %add3A_59 = arith.addf %dot_general3A_57, %add3A_58 : vector<256x64xf32>
    %get3A_60 = arith.constant 0 : index
    %get3A_61 = arith.constant 0 : index
    %get3A_62 = vector.load %arg14[%get3A_60, %get3A_61] : memref<64x64xf32, #tpu.memory_space<vmem>>, vector<64x64xf32>
    %dot_general3A_63 = arith.constant dense<0.000000e+00> : vector<256x64xf32>
    %dot_general3A_64 = tpu.matmul %slice3A, %get3A_62, %dot_general3A_63 {dimension_numbers = #tpu.dot_dimension_numbers<[1], [0], [0], [1], [0, 0, 1, 1], [], []>, transpose_lhs_hint = false} : vector<256x64xf32>, vector<64x64xf32>, vector<256x64xf32> -> vector<256x64xf32>
    %get3A_65 = arith.constant 0 : index
    %get3A_66 = arith.constant 0 : index
    %get3A_67 = vector.load %arg15[%get3A_65, %get3A_66] : memref<64x64xf32, #tpu.memory_space<vmem>>, vector<64x64xf32>
    %dot_general3A_68 = arith.constant dense<0.000000e+00> : vector<256x64xf32>
    %dot_general3A_69 = tpu.matmul %slice3A, %get3A_67, %dot_general3A_68 {dimension_numbers = #tpu.dot_dimension_numbers<[1], [0], [0], [1], [0, 0, 1, 1], [], []>, transpose_lhs_hint = false} : vector<256x64xf32>, vector<64x64xf32>, vector<256x64xf32> -> vector<256x64xf32>
    %sub3A_70 = arith.subf %dot_general3A_32, %dot_general3A_64 : vector<256x64xf32>
    %add3A_71 = arith.addf %sub3A_70, %add3A_59 : vector<256x64xf32>
    %get3A_72 = arith.constant 0 : index
    %get3A_73 = arith.constant 0 : index
    %get3A_74 = vector.load %arg9[%get3A_72, %get3A_73] : memref<64x64xf32, #tpu.memory_space<vmem>>, vector<64x64xf32>
    %dot_general3A_75 = arith.constant dense<0.000000e+00> : vector<256x64xf32>
    %dot_general3A_76 = tpu.matmul %add3A_71, %get3A_74, %dot_general3A_75 {dimension_numbers = #tpu.dot_dimension_numbers<[1], [0], [0], [1], [0, 0, 1, 1], [], []>, transpose_lhs_hint = false} : vector<256x64xf32>, vector<64x64xf32>, vector<256x64xf32> -> vector<256x64xf32>
    %add3A_77 = vector.broadcast %get3A_25 : vector<1x64xf32> to vector<256x64xf32>
    %add3A_78 = arith.addf %dot_general3A_76, %add3A_77 : vector<256x64xf32>
    %max3A_79 = arith.constant 0.000000e+00 : f32
    %max3A_80 = vector.broadcast %max3A_79 : f32 to vector<256x64xf32>
    %max3A_81 = arith.maximumf %add3A_78, %max3A_80 : vector<256x64xf32>
    %get3A_82 = arith.constant 0 : index
    %get3A_83 = arith.constant 0 : index
    %get3A_84 = vector.load %arg11[%get3A_82, %get3A_83] : memref<64x64xf32, #tpu.memory_space<vmem>>, vector<64x64xf32>
    %dot_general3A_85 = arith.constant dense<0.000000e+00> : vector<256x64xf32>
    %dot_general3A_86 = tpu.matmul %max3A_81, %get3A_84, %dot_general3A_85 {dimension_numbers = #tpu.dot_dimension_numbers<[1], [0], [0], [1], [0, 0, 1, 1], [], []>, transpose_lhs_hint = false} : vector<256x64xf32>, vector<64x64xf32>, vector<256x64xf32> -> vector<256x64xf32>
    %add3A_87 = vector.broadcast %get3A_28 : vector<1x64xf32> to vector<256x64xf32>
    %add3A_88 = arith.addf %dot_general3A_86, %add3A_87 : vector<256x64xf32>
    %slice3A_89 = vector.extract_strided_slice %get3A_13 {offsets = [0, 128], sizes = [256, 64], strides = [1, 1]} : vector<256x2048xf32> to vector<256x64xf32>
    %slice3A_90 = vector.extract_strided_slice %get3A_13 {offsets = [0, 192], sizes = [256, 3], strides = [1, 1]} : vector<256x2048xf32> to vector<256x3xf32>
    %sub3A_91 = arith.subf %slice3A_90, %get3A_8 : vector<256x3xf32>
    %slice3A_92 = vector.extract_strided_slice %sub3A_91 {offsets = [0, 0], sizes = [256, 1], strides = [1, 1]} : vector<256x3xf32> to vector<256x1xf32>
    %slice3A_93 = vector.extract_strided_slice %get3A_16 {offsets = [0, 0], sizes = [1, 64], strides = [1, 1]} : vector<3x64xf32> to vector<1x64xf32>
    %mul3A_94 = vector.broadcast %slice3A_92 : vector<256x1xf32> to vector<256x64xf32>
    %mul3A_95 = vector.broadcast %slice3A_93 : vector<1x64xf32> to vector<256x64xf32>
    %mul3A_96 = arith.mulf %mul3A_94, %mul3A_95 : vector<256x64xf32>
    %slice3A_97 = vector.extract_strided_slice %sub3A_91 {offsets = [0, 1], sizes = [256, 1], strides = [1, 1]} : vector<256x3xf32> to vector<256x1xf32>
    %slice3A_98 = vector.extract_strided_slice %get3A_16 {offsets = [1, 0], sizes = [1, 64], strides = [1, 1]} : vector<3x64xf32> to vector<1x64xf32>
    %mul3A_99 = vector.broadcast %slice3A_97 : vector<256x1xf32> to vector<256x64xf32>
    %mul3A_100 = vector.broadcast %slice3A_98 : vector<1x64xf32> to vector<256x64xf32>
    %mul3A_101 = arith.mulf %mul3A_99, %mul3A_100 : vector<256x64xf32>
    %add3A_102 = arith.addf %mul3A_96, %mul3A_101 : vector<256x64xf32>
    %slice3A_103 = vector.extract_strided_slice %sub3A_91 {offsets = [0, 2], sizes = [256, 1], strides = [1, 1]} : vector<256x3xf32> to vector<256x1xf32>
    %slice3A_104 = vector.extract_strided_slice %get3A_16 {offsets = [2, 0], sizes = [1, 64], strides = [1, 1]} : vector<3x64xf32> to vector<1x64xf32>
    %mul3A_105 = vector.broadcast %slice3A_103 : vector<256x1xf32> to vector<256x64xf32>
    %mul3A_106 = vector.broadcast %slice3A_104 : vector<1x64xf32> to vector<256x64xf32>
    %mul3A_107 = arith.mulf %mul3A_105, %mul3A_106 : vector<256x64xf32>
    %add3A_108 = arith.addf %add3A_102, %mul3A_107 : vector<256x64xf32>
    %add3A_109 = vector.broadcast %get3A_19 : vector<1x64xf32> to vector<256x64xf32>
    %add3A_110 = arith.addf %add3A_108, %add3A_109 : vector<256x64xf32>
    %max3A_111 = arith.constant 0.000000e+00 : f32
    %max3A_112 = vector.broadcast %max3A_111 : f32 to vector<256x64xf32>
    %max3A_113 = arith.maximumf %add3A_110, %max3A_112 : vector<256x64xf32>
    %get3A_114 = arith.constant 0 : index
    %get3A_115 = arith.constant 0 : index
    %get3A_116 = vector.load %arg7[%get3A_114, %get3A_115] : memref<64x64xf32, #tpu.memory_space<vmem>>, vector<64x64xf32>
    %dot_general3A_117 = arith.constant dense<0.000000e+00> : vector<256x64xf32>
    %dot_general3A_118 = tpu.matmul %max3A_113, %get3A_116, %dot_general3A_117 {dimension_numbers = #tpu.dot_dimension_numbers<[1], [0], [0], [1], [0, 0, 1, 1], [], []>, transpose_lhs_hint = false} : vector<256x64xf32>, vector<64x64xf32>, vector<256x64xf32> -> vector<256x64xf32>
    %add3A_119 = vector.broadcast %get3A_22 : vector<1x64xf32> to vector<256x64xf32>
    %add3A_120 = arith.addf %dot_general3A_118, %add3A_119 : vector<256x64xf32>
    %get3A_121 = arith.constant 0 : index
    %get3A_122 = arith.constant 0 : index
    %get3A_123 = vector.load %arg14[%get3A_121, %get3A_122] : memref<64x64xf32, #tpu.memory_space<vmem>>, vector<64x64xf32>
    %dot_general3A_124 = arith.constant dense<0.000000e+00> : vector<256x64xf32>
    %dot_general3A_125 = tpu.matmul %slice3A_89, %get3A_123, %dot_general3A_124 {dimension_numbers = #tpu.dot_dimension_numbers<[1], [0], [0], [1], [0, 0, 1, 1], [], []>, transpose_lhs_hint = false} : vector<256x64xf32>, vector<64x64xf32>, vector<256x64xf32> -> vector<256x64xf32>
    %get3A_126 = arith.constant 0 : index
    %get3A_127 = arith.constant 0 : index
    %get3A_128 = vector.load %arg15[%get3A_126, %get3A_127] : memref<64x64xf32, #tpu.memory_space<vmem>>, vector<64x64xf32>
    %dot_general3A_129 = arith.constant dense<0.000000e+00> : vector<256x64xf32>
    %dot_general3A_130 = tpu.matmul %slice3A_89, %get3A_128, %dot_general3A_129 {dimension_numbers = #tpu.dot_dimension_numbers<[1], [0], [0], [1], [0, 0, 1, 1], [], []>, transpose_lhs_hint = false} : vector<256x64xf32>, vector<64x64xf32>, vector<256x64xf32> -> vector<256x64xf32>
    %sub3A_131 = arith.subf %dot_general3A_32, %dot_general3A_125 : vector<256x64xf32>
    %add3A_132 = arith.addf %sub3A_131, %add3A_120 : vector<256x64xf32>
    %get3A_133 = arith.constant 0 : index
    %get3A_134 = arith.constant 0 : index
    %get3A_135 = vector.load %arg9[%get3A_133, %get3A_134] : memref<64x64xf32, #tpu.memory_space<vmem>>, vector<64x64xf32>
    %dot_general3A_136 = arith.constant dense<0.000000e+00> : vector<256x64xf32>
    %dot_general3A_137 = tpu.matmul %add3A_132, %get3A_135, %dot_general3A_136 {dimension_numbers = #tpu.dot_dimension_numbers<[1], [0], [0], [1], [0, 0, 1, 1], [], []>, transpose_lhs_hint = false} : vector<256x64xf32>, vector<64x64xf32>, vector<256x64xf32> -> vector<256x64xf32>
    %add3A_138 = vector.broadcast %get3A_25 : vector<1x64xf32> to vector<256x64xf32>
    %add3A_139 = arith.addf %dot_general3A_137, %add3A_138 : vector<256x64xf32>
    %max3A_140 = arith.constant 0.000000e+00 : f32
    %max3A_141 = vector.broadcast %max3A_140 : f32 to vector<256x64xf32>
    %max3A_142 = arith.maximumf %add3A_139, %max3A_141 : vector<256x64xf32>
    %get3A_143 = arith.constant 0 : index
    %get3A_144 = arith.constant 0 : index
    %get3A_145 = vector.load %arg11[%get3A_143, %get3A_144] : memref<64x64xf32, #tpu.memory_space<vmem>>, vector<64x64xf32>
    %dot_general3A_146 = arith.constant dense<0.000000e+00> : vector<256x64xf32>
    %dot_general3A_147 = tpu.matmul %max3A_142, %get3A_145, %dot_general3A_146 {dimension_numbers = #tpu.dot_dimension_numbers<[1], [0], [0], [1], [0, 0, 1, 1], [], []>, transpose_lhs_hint = false} : vector<256x64xf32>, vector<64x64xf32>, vector<256x64xf32> -> vector<256x64xf32>
    %add3A_148 = vector.broadcast %get3A_28 : vector<1x64xf32> to vector<256x64xf32>
    %add3A_149 = arith.addf %dot_general3A_147, %add3A_148 : vector<256x64xf32>
    %slice3A_150 = vector.extract_strided_slice %get3A_13 {offsets = [0, 256], sizes = [256, 64], strides = [1, 1]} : vector<256x2048xf32> to vector<256x64xf32>
    %slice3A_151 = vector.extract_strided_slice %get3A_13 {offsets = [0, 320], sizes = [256, 3], strides = [1, 1]} : vector<256x2048xf32> to vector<256x3xf32>
    %sub3A_152 = arith.subf %slice3A_151, %get3A_8 : vector<256x3xf32>
    %slice3A_153 = vector.extract_strided_slice %sub3A_152 {offsets = [0, 0], sizes = [256, 1], strides = [1, 1]} : vector<256x3xf32> to vector<256x1xf32>
    %slice3A_154 = vector.extract_strided_slice %get3A_16 {offsets = [0, 0], sizes = [1, 64], strides = [1, 1]} : vector<3x64xf32> to vector<1x64xf32>
    %mul3A_155 = vector.broadcast %slice3A_153 : vector<256x1xf32> to vector<256x64xf32>
    %mul3A_156 = vector.broadcast %slice3A_154 : vector<1x64xf32> to vector<256x64xf32>
    %mul3A_157 = arith.mulf %mul3A_155, %mul3A_156 : vector<256x64xf32>
    %slice3A_158 = vector.extract_strided_slice %sub3A_152 {offsets = [0, 1], sizes = [256, 1], strides = [1, 1]} : vector<256x3xf32> to vector<256x1xf32>
    %slice3A_159 = vector.extract_strided_slice %get3A_16 {offsets = [1, 0], sizes = [1, 64], strides = [1, 1]} : vector<3x64xf32> to vector<1x64xf32>
    %mul3A_160 = vector.broadcast %slice3A_158 : vector<256x1xf32> to vector<256x64xf32>
    %mul3A_161 = vector.broadcast %slice3A_159 : vector<1x64xf32> to vector<256x64xf32>
    %mul3A_162 = arith.mulf %mul3A_160, %mul3A_161 : vector<256x64xf32>
    %add3A_163 = arith.addf %mul3A_157, %mul3A_162 : vector<256x64xf32>
    %slice3A_164 = vector.extract_strided_slice %sub3A_152 {offsets = [0, 2], sizes = [256, 1], strides = [1, 1]} : vector<256x3xf32> to vector<256x1xf32>
    %slice3A_165 = vector.extract_strided_slice %get3A_16 {offsets = [2, 0], sizes = [1, 64], strides = [1, 1]} : vector<3x64xf32> to vector<1x64xf32>
    %mul3A_166 = vector.broadcast %slice3A_164 : vector<256x1xf32> to vector<256x64xf32>
    %mul3A_167 = vector.broadcast %slice3A_165 : vector<1x64xf32> to vector<256x64xf32>
    %mul3A_168 = arith.mulf %mul3A_166, %mul3A_167 : vector<256x64xf32>
    %add3A_169 = arith.addf %add3A_163, %mul3A_168 : vector<256x64xf32>
    %add3A_170 = vector.broadcast %get3A_19 : vector<1x64xf32> to vector<256x64xf32>
    %add3A_171 = arith.addf %add3A_169, %add3A_170 : vector<256x64xf32>
    %max3A_172 = arith.constant 0.000000e+00 : f32
    %max3A_173 = vector.broadcast %max3A_172 : f32 to vector<256x64xf32>
    %max3A_174 = arith.maximumf %add3A_171, %max3A_173 : vector<256x64xf32>
    %get3A_175 = arith.constant 0 : index
    %get3A_176 = arith.constant 0 : index
    %get3A_177 = vector.load %arg7[%get3A_175, %get3A_176] : memref<64x64xf32, #tpu.memory_space<vmem>>, vector<64x64xf32>
    %dot_general3A_178 = arith.constant dense<0.000000e+00> : vector<256x64xf32>
    %dot_general3A_179 = tpu.matmul %max3A_174, %get3A_177, %dot_general3A_178 {dimension_numbers = #tpu.dot_dimension_numbers<[1], [0], [0], [1], [0, 0, 1, 1], [], []>, transpose_lhs_hint = false} : vector<256x64xf32>, vector<64x64xf32>, vector<256x64xf32> -> vector<256x64xf32>
    %add3A_180 = vector.broadcast %get3A_22 : vector<1x64xf32> to vector<256x64xf32>
    %add3A_181 = arith.addf %dot_general3A_179, %add3A_180 : vector<256x64xf32>
    %get3A_182 = arith.constant 0 : index
    %get3A_183 = arith.constant 0 : index
    %get3A_184 = vector.load %arg14[%get3A_182, %get3A_183] : memref<64x64xf32, #tpu.memory_space<vmem>>, vector<64x64xf32>
    %dot_general3A_185 = arith.constant dense<0.000000e+00> : vector<256x64xf32>
    %dot_general3A_186 = tpu.matmul %slice3A_150, %get3A_184, %dot_general3A_185 {dimension_numbers = #tpu.dot_dimension_numbers<[1], [0], [0], [1], [0, 0, 1, 1], [], []>, transpose_lhs_hint = false} : vector<256x64xf32>, vector<64x64xf32>, vector<256x64xf32> -> vector<256x64xf32>
    %get3A_187 = arith.constant 0 : index
    %get3A_188 = arith.constant 0 : index
    %get3A_189 = vector.load %arg15[%get3A_187, %get3A_188] : memref<64x64xf32, #tpu.memory_space<vmem>>, vector<64x64xf32>
    %dot_general3A_190 = arith.constant dense<0.000000e+00> : vector<256x64xf32>
    %dot_general3A_191 = tpu.matmul %slice3A_150, %get3A_189, %dot_general3A_190 {dimension_numbers = #tpu.dot_dimension_numbers<[1], [0], [0], [1], [0, 0, 1, 1], [], []>, transpose_lhs_hint = false} : vector<256x64xf32>, vector<64x64xf32>, vector<256x64xf32> -> vector<256x64xf32>
    %sub3A_192 = arith.subf %dot_general3A_32, %dot_general3A_186 : vector<256x64xf32>
    %add3A_193 = arith.addf %sub3A_192, %add3A_181 : vector<256x64xf32>
    %get3A_194 = arith.constant 0 : index
    %get3A_195 = arith.constant 0 : index
    %get3A_196 = vector.load %arg9[%get3A_194, %get3A_195] : memref<64x64xf32, #tpu.memory_space<vmem>>, vector<64x64xf32>
    %dot_general3A_197 = arith.constant dense<0.000000e+00> : vector<256x64xf32>
    %dot_general3A_198 = tpu.matmul %add3A_193, %get3A_196, %dot_general3A_197 {dimension_numbers = #tpu.dot_dimension_numbers<[1], [0], [0], [1], [0, 0, 1, 1], [], []>, transpose_lhs_hint = false} : vector<256x64xf32>, vector<64x64xf32>, vector<256x64xf32> -> vector<256x64xf32>
    %add3A_199 = vector.broadcast %get3A_25 : vector<1x64xf32> to vector<256x64xf32>
    %add3A_200 = arith.addf %dot_general3A_198, %add3A_199 : vector<256x64xf32>
    %max3A_201 = arith.constant 0.000000e+00 : f32
    %max3A_202 = vector.broadcast %max3A_201 : f32 to vector<256x64xf32>
    %max3A_203 = arith.maximumf %add3A_200, %max3A_202 : vector<256x64xf32>
    %get3A_204 = arith.constant 0 : index
    %get3A_205 = arith.constant 0 : index
    %get3A_206 = vector.load %arg11[%get3A_204, %get3A_205] : memref<64x64xf32, #tpu.memory_space<vmem>>, vector<64x64xf32>
    %dot_general3A_207 = arith.constant dense<0.000000e+00> : vector<256x64xf32>
    %dot_general3A_208 = tpu.matmul %max3A_203, %get3A_206, %dot_general3A_207 {dimension_numbers = #tpu.dot_dimension_numbers<[1], [0], [0], [1], [0, 0, 1, 1], [], []>, transpose_lhs_hint = false} : vector<256x64xf32>, vector<64x64xf32>, vector<256x64xf32> -> vector<256x64xf32>
    %add3A_209 = vector.broadcast %get3A_28 : vector<1x64xf32> to vector<256x64xf32>
    %add3A_210 = arith.addf %dot_general3A_208, %add3A_209 : vector<256x64xf32>
    %slice3A_211 = vector.extract_strided_slice %get3A_13 {offsets = [0, 384], sizes = [256, 64], strides = [1, 1]} : vector<256x2048xf32> to vector<256x64xf32>
    %slice3A_212 = vector.extract_strided_slice %get3A_13 {offsets = [0, 448], sizes = [256, 3], strides = [1, 1]} : vector<256x2048xf32> to vector<256x3xf32>
    %sub3A_213 = arith.subf %slice3A_212, %get3A_8 : vector<256x3xf32>
    %slice3A_214 = vector.extract_strided_slice %sub3A_213 {offsets = [0, 0], sizes = [256, 1], strides = [1, 1]} : vector<256x3xf32> to vector<256x1xf32>
    %slice3A_215 = vector.extract_strided_slice %get3A_16 {offsets = [0, 0], sizes = [1, 64], strides = [1, 1]} : vector<3x64xf32> to vector<1x64xf32>
    %mul3A_216 = vector.broadcast %slice3A_214 : vector<256x1xf32> to vector<256x64xf32>
    %mul3A_217 = vector.broadcast %slice3A_215 : vector<1x64xf32> to vector<256x64xf32>
    %mul3A_218 = arith.mulf %mul3A_216, %mul3A_217 : vector<256x64xf32>
    %slice3A_219 = vector.extract_strided_slice %sub3A_213 {offsets = [0, 1], sizes = [256, 1], strides = [1, 1]} : vector<256x3xf32> to vector<256x1xf32>
    %slice3A_220 = vector.extract_strided_slice %get3A_16 {offsets = [1, 0], sizes = [1, 64], strides = [1, 1]} : vector<3x64xf32> to vector<1x64xf32>
    %mul3A_221 = vector.broadcast %slice3A_219 : vector<256x1xf32> to vector<256x64xf32>
    %mul3A_222 = vector.broadcast %slice3A_220 : vector<1x64xf32> to vector<256x64xf32>
    %mul3A_223 = arith.mulf %mul3A_221, %mul3A_222 : vector<256x64xf32>
    %add3A_224 = arith.addf %mul3A_218, %mul3A_223 : vector<256x64xf32>
    %slice3A_225 = vector.extract_strided_slice %sub3A_213 {offsets = [0, 2], sizes = [256, 1], strides = [1, 1]} : vector<256x3xf32> to vector<256x1xf32>
    %slice3A_226 = vector.extract_strided_slice %get3A_16 {offsets = [2, 0], sizes = [1, 64], strides = [1, 1]} : vector<3x64xf32> to vector<1x64xf32>
    %mul3A_227 = vector.broadcast %slice3A_225 : vector<256x1xf32> to vector<256x64xf32>
    %mul3A_228 = vector.broadcast %slice3A_226 : vector<1x64xf32> to vector<256x64xf32>
    %mul3A_229 = arith.mulf %mul3A_227, %mul3A_228 : vector<256x64xf32>
    %add3A_230 = arith.addf %add3A_224, %mul3A_229 : vector<256x64xf32>
    %add3A_231 = vector.broadcast %get3A_19 : vector<1x64xf32> to vector<256x64xf32>
    %add3A_232 = arith.addf %add3A_230, %add3A_231 : vector<256x64xf32>
    %max3A_233 = arith.constant 0.000000e+00 : f32
    %max3A_234 = vector.broadcast %max3A_233 : f32 to vector<256x64xf32>
    %max3A_235 = arith.maximumf %add3A_232, %max3A_234 : vector<256x64xf32>
    %get3A_236 = arith.constant 0 : index
    %get3A_237 = arith.constant 0 : index
    %get3A_238 = vector.load %arg7[%get3A_236, %get3A_237] : memref<64x64xf32, #tpu.memory_space<vmem>>, vector<64x64xf32>
    %dot_general3A_239 = arith.constant dense<0.000000e+00> : vector<256x64xf32>
    %dot_general3A_240 = tpu.matmul %max3A_235, %get3A_238, %dot_general3A_239 {dimension_numbers = #tpu.dot_dimension_numbers<[1], [0], [0], [1], [0, 0, 1, 1], [], []>, transpose_lhs_hint = false} : vector<256x64xf32>, vector<64x64xf32>, vector<256x64xf32> -> vector<256x64xf32>
    %add3A_241 = vector.broadcast %get3A_22 : vector<1x64xf32> to vector<256x64xf32>
    %add3A_242 = arith.addf %dot_general3A_240, %add3A_241 : vector<256x64xf32>
    %get3A_243 = arith.constant 0 : index
    %get3A_244 = arith.constant 0 : index
    %get3A_245 = vector.load %arg14[%get3A_243, %get3A_244] : memref<64x64xf32, #tpu.memory_space<vmem>>, vector<64x64xf32>
    %dot_general3A_246 = arith.constant dense<0.000000e+00> : vector<256x64xf32>
    %dot_general3A_247 = tpu.matmul %slice3A_211, %get3A_245, %dot_general3A_246 {dimension_numbers = #tpu.dot_dimension_numbers<[1], [0], [0], [1], [0, 0, 1, 1], [], []>, transpose_lhs_hint = false} : vector<256x64xf32>, vector<64x64xf32>, vector<256x64xf32> -> vector<256x64xf32>
    %get3A_248 = arith.constant 0 : index
    %get3A_249 = arith.constant 0 : index
    %get3A_250 = vector.load %arg15[%get3A_248, %get3A_249] : memref<64x64xf32, #tpu.memory_space<vmem>>, vector<64x64xf32>
    %dot_general3A_251 = arith.constant dense<0.000000e+00> : vector<256x64xf32>
    %dot_general3A_252 = tpu.matmul %slice3A_211, %get3A_250, %dot_general3A_251 {dimension_numbers = #tpu.dot_dimension_numbers<[1], [0], [0], [1], [0, 0, 1, 1], [], []>, transpose_lhs_hint = false} : vector<256x64xf32>, vector<64x64xf32>, vector<256x64xf32> -> vector<256x64xf32>
    %sub3A_253 = arith.subf %dot_general3A_32, %dot_general3A_247 : vector<256x64xf32>
    %add3A_254 = arith.addf %sub3A_253, %add3A_242 : vector<256x64xf32>
    %get3A_255 = arith.constant 0 : index
    %get3A_256 = arith.constant 0 : index
    %get3A_257 = vector.load %arg9[%get3A_255, %get3A_256] : memref<64x64xf32, #tpu.memory_space<vmem>>, vector<64x64xf32>
    %dot_general3A_258 = arith.constant dense<0.000000e+00> : vector<256x64xf32>
    %dot_general3A_259 = tpu.matmul %add3A_254, %get3A_257, %dot_general3A_258 {dimension_numbers = #tpu.dot_dimension_numbers<[1], [0], [0], [1], [0, 0, 1, 1], [], []>, transpose_lhs_hint = false} : vector<256x64xf32>, vector<64x64xf32>, vector<256x64xf32> -> vector<256x64xf32>
    %add3A_260 = vector.broadcast %get3A_25 : vector<1x64xf32> to vector<256x64xf32>
    %add3A_261 = arith.addf %dot_general3A_259, %add3A_260 : vector<256x64xf32>
    %max3A_262 = arith.constant 0.000000e+00 : f32
    %max3A_263 = vector.broadcast %max3A_262 : f32 to vector<256x64xf32>
    %max3A_264 = arith.maximumf %add3A_261, %max3A_263 : vector<256x64xf32>
    %get3A_265 = arith.constant 0 : index
    %get3A_266 = arith.constant 0 : index
    %get3A_267 = vector.load %arg11[%get3A_265, %get3A_266] : memref<64x64xf32, #tpu.memory_space<vmem>>, vector<64x64xf32>
    %dot_general3A_268 = arith.constant dense<0.000000e+00> : vector<256x64xf32>
    %dot_general3A_269 = tpu.matmul %max3A_264, %get3A_267, %dot_general3A_268 {dimension_numbers = #tpu.dot_dimension_numbers<[1], [0], [0], [1], [0, 0, 1, 1], [], []>, transpose_lhs_hint = false} : vector<256x64xf32>, vector<64x64xf32>, vector<256x64xf32> -> vector<256x64xf32>
    %add3A_270 = vector.broadcast %get3A_28 : vector<1x64xf32> to vector<256x64xf32>
    %add3A_271 = arith.addf %dot_general3A_269, %add3A_270 : vector<256x64xf32>
    %slice3A_272 = vector.extract_strided_slice %get3A_13 {offsets = [0, 512], sizes = [256, 64], strides = [1, 1]} : vector<256x2048xf32> to vector<256x64xf32>
    %slice3A_273 = vector.extract_strided_slice %get3A_13 {offsets = [0, 576], sizes = [256, 3], strides = [1, 1]} : vector<256x2048xf32> to vector<256x3xf32>
    %sub3A_274 = arith.subf %slice3A_273, %get3A_8 : vector<256x3xf32>
    %slice3A_275 = vector.extract_strided_slice %sub3A_274 {offsets = [0, 0], sizes = [256, 1], strides = [1, 1]} : vector<256x3xf32> to vector<256x1xf32>
    %slice3A_276 = vector.extract_strided_slice %get3A_16 {offsets = [0, 0], sizes = [1, 64], strides = [1, 1]} : vector<3x64xf32> to vector<1x64xf32>
    %mul3A_277 = vector.broadcast %slice3A_275 : vector<256x1xf32> to vector<256x64xf32>
    %mul3A_278 = vector.broadcast %slice3A_276 : vector<1x64xf32> to vector<256x64xf32>
    %mul3A_279 = arith.mulf %mul3A_277, %mul3A_278 : vector<256x64xf32>
    %slice3A_280 = vector.extract_strided_slice %sub3A_274 {offsets = [0, 1], sizes = [256, 1], strides = [1, 1]} : vector<256x3xf32> to vector<256x1xf32>
    %slice3A_281 = vector.extract_strided_slice %get3A_16 {offsets = [1, 0], sizes = [1, 64], strides = [1, 1]} : vector<3x64xf32> to vector<1x64xf32>
    %mul3A_282 = vector.broadcast %slice3A_280 : vector<256x1xf32> to vector<256x64xf32>
    %mul3A_283 = vector.broadcast %slice3A_281 : vector<1x64xf32> to vector<256x64xf32>
    %mul3A_284 = arith.mulf %mul3A_282, %mul3A_283 : vector<256x64xf32>
    %add3A_285 = arith.addf %mul3A_279, %mul3A_284 : vector<256x64xf32>
    %slice3A_286 = vector.extract_strided_slice %sub3A_274 {offsets = [0, 2], sizes = [256, 1], strides = [1, 1]} : vector<256x3xf32> to vector<256x1xf32>
    %slice3A_287 = vector.extract_strided_slice %get3A_16 {offsets = [2, 0], sizes = [1, 64], strides = [1, 1]} : vector<3x64xf32> to vector<1x64xf32>
    %mul3A_288 = vector.broadcast %slice3A_286 : vector<256x1xf32> to vector<256x64xf32>
    %mul3A_289 = vector.broadcast %slice3A_287 : vector<1x64xf32> to vector<256x64xf32>
    %mul3A_290 = arith.mulf %mul3A_288, %mul3A_289 : vector<256x64xf32>
    %add3A_291 = arith.addf %add3A_285, %mul3A_290 : vector<256x64xf32>
    %add3A_292 = vector.broadcast %get3A_19 : vector<1x64xf32> to vector<256x64xf32>
    %add3A_293 = arith.addf %add3A_291, %add3A_292 : vector<256x64xf32>
    %max3A_294 = arith.constant 0.000000e+00 : f32
    %max3A_295 = vector.broadcast %max3A_294 : f32 to vector<256x64xf32>
    %max3A_296 = arith.maximumf %add3A_293, %max3A_295 : vector<256x64xf32>
    %get3A_297 = arith.constant 0 : index
    %get3A_298 = arith.constant 0 : index
    %get3A_299 = vector.load %arg7[%get3A_297, %get3A_298] : memref<64x64xf32, #tpu.memory_space<vmem>>, vector<64x64xf32>
    %dot_general3A_300 = arith.constant dense<0.000000e+00> : vector<256x64xf32>
    %dot_general3A_301 = tpu.matmul %max3A_296, %get3A_299, %dot_general3A_300 {dimension_numbers = #tpu.dot_dimension_numbers<[1], [0], [0], [1], [0, 0, 1, 1], [], []>, transpose_lhs_hint = false} : vector<256x64xf32>, vector<64x64xf32>, vector<256x64xf32> -> vector<256x64xf32>
    %add3A_302 = vector.broadcast %get3A_22 : vector<1x64xf32> to vector<256x64xf32>
    %add3A_303 = arith.addf %dot_general3A_301, %add3A_302 : vector<256x64xf32>
    %get3A_304 = arith.constant 0 : index
    %get3A_305 = arith.constant 0 : index
    %get3A_306 = vector.load %arg14[%get3A_304, %get3A_305] : memref<64x64xf32, #tpu.memory_space<vmem>>, vector<64x64xf32>
    %dot_general3A_307 = arith.constant dense<0.000000e+00> : vector<256x64xf32>
    %dot_general3A_308 = tpu.matmul %slice3A_272, %get3A_306, %dot_general3A_307 {dimension_numbers = #tpu.dot_dimension_numbers<[1], [0], [0], [1], [0, 0, 1, 1], [], []>, transpose_lhs_hint = false} : vector<256x64xf32>, vector<64x64xf32>, vector<256x64xf32> -> vector<256x64xf32>
    %get3A_309 = arith.constant 0 : index
    %get3A_310 = arith.constant 0 : index
    %get3A_311 = vector.load %arg15[%get3A_309, %get3A_310] : memref<64x64xf32, #tpu.memory_space<vmem>>, vector<64x64xf32>
    %dot_general3A_312 = arith.constant dense<0.000000e+00> : vector<256x64xf32>
    %dot_general3A_313 = tpu.matmul %slice3A_272, %get3A_311, %dot_general3A_312 {dimension_numbers = #tpu.dot_dimension_numbers<[1], [0], [0], [1], [0, 0, 1, 1], [], []>, transpose_lhs_hint = false} : vector<256x64xf32>, vector<64x64xf32>, vector<256x64xf32> -> vector<256x64xf32>
    %sub3A_314 = arith.subf %dot_general3A_32, %dot_general3A_308 : vector<256x64xf32>
    %add3A_315 = arith.addf %sub3A_314, %add3A_303 : vector<256x64xf32>
    %get3A_316 = arith.constant 0 : index
    %get3A_317 = arith.constant 0 : index
    %get3A_318 = vector.load %arg9[%get3A_316, %get3A_317] : memref<64x64xf32, #tpu.memory_space<vmem>>, vector<64x64xf32>
    %dot_general3A_319 = arith.constant dense<0.000000e+00> : vector<256x64xf32>
    %dot_general3A_320 = tpu.matmul %add3A_315, %get3A_318, %dot_general3A_319 {dimension_numbers = #tpu.dot_dimension_numbers<[1], [0], [0], [1], [0, 0, 1, 1], [], []>, transpose_lhs_hint = false} : vector<256x64xf32>, vector<64x64xf32>, vector<256x64xf32> -> vector<256x64xf32>
    %add3A_321 = vector.broadcast %get3A_25 : vector<1x64xf32> to vector<256x64xf32>
    %add3A_322 = arith.addf %dot_general3A_320, %add3A_321 : vector<256x64xf32>
    %max3A_323 = arith.constant 0.000000e+00 : f32
    %max3A_324 = vector.broadcast %max3A_323 : f32 to vector<256x64xf32>
    %max3A_325 = arith.maximumf %add3A_322, %max3A_324 : vector<256x64xf32>
    %get3A_326 = arith.constant 0 : index
    %get3A_327 = arith.constant 0 : index
    %get3A_328 = vector.load %arg11[%get3A_326, %get3A_327] : memref<64x64xf32, #tpu.memory_space<vmem>>, vector<64x64xf32>
    %dot_general3A_329 = arith.constant dense<0.000000e+00> : vector<256x64xf32>
    %dot_general3A_330 = tpu.matmul %max3A_325, %get3A_328, %dot_general3A_329 {dimension_numbers = #tpu.dot_dimension_numbers<[1], [0], [0], [1], [0, 0, 1, 1], [], []>, transpose_lhs_hint = false} : vector<256x64xf32>, vector<64x64xf32>, vector<256x64xf32> -> vector<256x64xf32>
    %add3A_331 = vector.broadcast %get3A_28 : vector<1x64xf32> to vector<256x64xf32>
    %add3A_332 = arith.addf %dot_general3A_330, %add3A_331 : vector<256x64xf32>
    %slice3A_333 = vector.extract_strided_slice %get3A_13 {offsets = [0, 640], sizes = [256, 64], strides = [1, 1]} : vector<256x2048xf32> to vector<256x64xf32>
    %slice3A_334 = vector.extract_strided_slice %get3A_13 {offsets = [0, 704], sizes = [256, 3], strides = [1, 1]} : vector<256x2048xf32> to vector<256x3xf32>
    %sub3A_335 = arith.subf %slice3A_334, %get3A_8 : vector<256x3xf32>
    %slice3A_336 = vector.extract_strided_slice %sub3A_335 {offsets = [0, 0], sizes = [256, 1], strides = [1, 1]} : vector<256x3xf32> to vector<256x1xf32>
    %slice3A_337 = vector.extract_strided_slice %get3A_16 {offsets = [0, 0], sizes = [1, 64], strides = [1, 1]} : vector<3x64xf32> to vector<1x64xf32>
    %mul3A_338 = vector.broadcast %slice3A_336 : vector<256x1xf32> to vector<256x64xf32>
    %mul3A_339 = vector.broadcast %slice3A_337 : vector<1x64xf32> to vector<256x64xf32>
    %mul3A_340 = arith.mulf %mul3A_338, %mul3A_339 : vector<256x64xf32>
    %slice3A_341 = vector.extract_strided_slice %sub3A_335 {offsets = [0, 1], sizes = [256, 1], strides = [1, 1]} : vector<256x3xf32> to vector<256x1xf32>
    %slice3A_342 = vector.extract_strided_slice %get3A_16 {offsets = [1, 0], sizes = [1, 64], strides = [1, 1]} : vector<3x64xf32> to vector<1x64xf32>
    %mul3A_343 = vector.broadcast %slice3A_341 : vector<256x1xf32> to vector<256x64xf32>
    %mul3A_344 = vector.broadcast %slice3A_342 : vector<1x64xf32> to vector<256x64xf32>
    %mul3A_345 = arith.mulf %mul3A_343, %mul3A_344 : vector<256x64xf32>
    %add3A_346 = arith.addf %mul3A_340, %mul3A_345 : vector<256x64xf32>
    %slice3A_347 = vector.extract_strided_slice %sub3A_335 {offsets = [0, 2], sizes = [256, 1], strides = [1, 1]} : vector<256x3xf32> to vector<256x1xf32>
    %slice3A_348 = vector.extract_strided_slice %get3A_16 {offsets = [2, 0], sizes = [1, 64], strides = [1, 1]} : vector<3x64xf32> to vector<1x64xf32>
    %mul3A_349 = vector.broadcast %slice3A_347 : vector<256x1xf32> to vector<256x64xf32>
    %mul3A_350 = vector.broadcast %slice3A_348 : vector<1x64xf32> to vector<256x64xf32>
    %mul3A_351 = arith.mulf %mul3A_349, %mul3A_350 : vector<256x64xf32>
    %add3A_352 = arith.addf %add3A_346, %mul3A_351 : vector<256x64xf32>
    %add3A_353 = vector.broadcast %get3A_19 : vector<1x64xf32> to vector<256x64xf32>
    %add3A_354 = arith.addf %add3A_352, %add3A_353 : vector<256x64xf32>
    %max3A_355 = arith.constant 0.000000e+00 : f32
    %max3A_356 = vector.broadcast %max3A_355 : f32 to vector<256x64xf32>
    %max3A_357 = arith.maximumf %add3A_354, %max3A_356 : vector<256x64xf32>
    %get3A_358 = arith.constant 0 : index
    %get3A_359 = arith.constant 0 : index
    %get3A_360 = vector.load %arg7[%get3A_358, %get3A_359] : memref<64x64xf32, #tpu.memory_space<vmem>>, vector<64x64xf32>
    %dot_general3A_361 = arith.constant dense<0.000000e+00> : vector<256x64xf32>
    %dot_general3A_362 = tpu.matmul %max3A_357, %get3A_360, %dot_general3A_361 {dimension_numbers = #tpu.dot_dimension_numbers<[1], [0], [0], [1], [0, 0, 1, 1], [], []>, transpose_lhs_hint = false} : vector<256x64xf32>, vector<64x64xf32>, vector<256x64xf32> -> vector<256x64xf32>
    %add3A_363 = vector.broadcast %get3A_22 : vector<1x64xf32> to vector<256x64xf32>
    %add3A_364 = arith.addf %dot_general3A_362, %add3A_363 : vector<256x64xf32>
    %get3A_365 = arith.constant 0 : index
    %get3A_366 = arith.constant 0 : index
    %get3A_367 = vector.load %arg14[%get3A_365, %get3A_366] : memref<64x64xf32, #tpu.memory_space<vmem>>, vector<64x64xf32>
    %dot_general3A_368 = arith.constant dense<0.000000e+00> : vector<256x64xf32>
    %dot_general3A_369 = tpu.matmul %slice3A_333, %get3A_367, %dot_general3A_368 {dimension_numbers = #tpu.dot_dimension_numbers<[1], [0], [0], [1], [0, 0, 1, 1], [], []>, transpose_lhs_hint = false} : vector<256x64xf32>, vector<64x64xf32>, vector<256x64xf32> -> vector<256x64xf32>
    %get3A_370 = arith.constant 0 : index
    %get3A_371 = arith.constant 0 : index
    %get3A_372 = vector.load %arg15[%get3A_370, %get3A_371] : memref<64x64xf32, #tpu.memory_space<vmem>>, vector<64x64xf32>
    %dot_general3A_373 = arith.constant dense<0.000000e+00> : vector<256x64xf32>
    %dot_general3A_374 = tpu.matmul %slice3A_333, %get3A_372, %dot_general3A_373 {dimension_numbers = #tpu.dot_dimension_numbers<[1], [0], [0], [1], [0, 0, 1, 1], [], []>, transpose_lhs_hint = false} : vector<256x64xf32>, vector<64x64xf32>, vector<256x64xf32> -> vector<256x64xf32>
    %sub3A_375 = arith.subf %dot_general3A_32, %dot_general3A_369 : vector<256x64xf32>
    %add3A_376 = arith.addf %sub3A_375, %add3A_364 : vector<256x64xf32>
    %get3A_377 = arith.constant 0 : index
    %get3A_378 = arith.constant 0 : index
    %get3A_379 = vector.load %arg9[%get3A_377, %get3A_378] : memref<64x64xf32, #tpu.memory_space<vmem>>, vector<64x64xf32>
    %dot_general3A_380 = arith.constant dense<0.000000e+00> : vector<256x64xf32>
    %dot_general3A_381 = tpu.matmul %add3A_376, %get3A_379, %dot_general3A_380 {dimension_numbers = #tpu.dot_dimension_numbers<[1], [0], [0], [1], [0, 0, 1, 1], [], []>, transpose_lhs_hint = false} : vector<256x64xf32>, vector<64x64xf32>, vector<256x64xf32> -> vector<256x64xf32>
    %add3A_382 = vector.broadcast %get3A_25 : vector<1x64xf32> to vector<256x64xf32>
    %add3A_383 = arith.addf %dot_general3A_381, %add3A_382 : vector<256x64xf32>
    %max3A_384 = arith.constant 0.000000e+00 : f32
    %max3A_385 = vector.broadcast %max3A_384 : f32 to vector<256x64xf32>
    %max3A_386 = arith.maximumf %add3A_383, %max3A_385 : vector<256x64xf32>
    %get3A_387 = arith.constant 0 : index
    %get3A_388 = arith.constant 0 : index
    %get3A_389 = vector.load %arg11[%get3A_387, %get3A_388] : memref<64x64xf32, #tpu.memory_space<vmem>>, vector<64x64xf32>
    %dot_general3A_390 = arith.constant dense<0.000000e+00> : vector<256x64xf32>
    %dot_general3A_391 = tpu.matmul %max3A_386, %get3A_389, %dot_general3A_390 {dimension_numbers = #tpu.dot_dimension_numbers<[1], [0], [0], [1], [0, 0, 1, 1], [], []>, transpose_lhs_hint = false} : vector<256x64xf32>, vector<64x64xf32>, vector<256x64xf32> -> vector<256x64xf32>
    %add3A_392 = vector.broadcast %get3A_28 : vector<1x64xf32> to vector<256x64xf32>
    %add3A_393 = arith.addf %dot_general3A_391, %add3A_392 : vector<256x64xf32>
    %slice3A_394 = vector.extract_strided_slice %get3A_13 {offsets = [0, 768], sizes = [256, 64], strides = [1, 1]} : vector<256x2048xf32> to vector<256x64xf32>
    %slice3A_395 = vector.extract_strided_slice %get3A_13 {offsets = [0, 832], sizes = [256, 3], strides = [1, 1]} : vector<256x2048xf32> to vector<256x3xf32>
    %sub3A_396 = arith.subf %slice3A_395, %get3A_8 : vector<256x3xf32>
    %slice3A_397 = vector.extract_strided_slice %sub3A_396 {offsets = [0, 0], sizes = [256, 1], strides = [1, 1]} : vector<256x3xf32> to vector<256x1xf32>
    %slice3A_398 = vector.extract_strided_slice %get3A_16 {offsets = [0, 0], sizes = [1, 64], strides = [1, 1]} : vector<3x64xf32> to vector<1x64xf32>
    %mul3A_399 = vector.broadcast %slice3A_397 : vector<256x1xf32> to vector<256x64xf32>
    %mul3A_400 = vector.broadcast %slice3A_398 : vector<1x64xf32> to vector<256x64xf32>
    %mul3A_401 = arith.mulf %mul3A_399, %mul3A_400 : vector<256x64xf32>
    %slice3A_402 = vector.extract_strided_slice %sub3A_396 {offsets = [0, 1], sizes = [256, 1], strides = [1, 1]} : vector<256x3xf32> to vector<256x1xf32>
    %slice3A_403 = vector.extract_strided_slice %get3A_16 {offsets = [1, 0], sizes = [1, 64], strides = [1, 1]} : vector<3x64xf32> to vector<1x64xf32>
    %mul3A_404 = vector.broadcast %slice3A_402 : vector<256x1xf32> to vector<256x64xf32>
    %mul3A_405 = vector.broadcast %slice3A_403 : vector<1x64xf32> to vector<256x64xf32>
    %mul3A_406 = arith.mulf %mul3A_404, %mul3A_405 : vector<256x64xf32>
    %add3A_407 = arith.addf %mul3A_401, %mul3A_406 : vector<256x64xf32>
    %slice3A_408 = vector.extract_strided_slice %sub3A_396 {offsets = [0, 2], sizes = [256, 1], strides = [1, 1]} : vector<256x3xf32> to vector<256x1xf32>
    %slice3A_409 = vector.extract_strided_slice %get3A_16 {offsets = [2, 0], sizes = [1, 64], strides = [1, 1]} : vector<3x64xf32> to vector<1x64xf32>
    %mul3A_410 = vector.broadcast %slice3A_408 : vector<256x1xf32> to vector<256x64xf32>
    %mul3A_411 = vector.broadcast %slice3A_409 : vector<1x64xf32> to vector<256x64xf32>
    %mul3A_412 = arith.mulf %mul3A_410, %mul3A_411 : vector<256x64xf32>
    %add3A_413 = arith.addf %add3A_407, %mul3A_412 : vector<256x64xf32>
    %add3A_414 = vector.broadcast %get3A_19 : vector<1x64xf32> to vector<256x64xf32>
    %add3A_415 = arith.addf %add3A_413, %add3A_414 : vector<256x64xf32>
    %max3A_416 = arith.constant 0.000000e+00 : f32
    %max3A_417 = vector.broadcast %max3A_416 : f32 to vector<256x64xf32>
    %max3A_418 = arith.maximumf %add3A_415, %max3A_417 : vector<256x64xf32>
    %get3A_419 = arith.constant 0 : index
    %get3A_420 = arith.constant 0 : index
    %get3A_421 = vector.load %arg7[%get3A_419, %get3A_420] : memref<64x64xf32, #tpu.memory_space<vmem>>, vector<64x64xf32>
    %dot_general3A_422 = arith.constant dense<0.000000e+00> : vector<256x64xf32>
    %dot_general3A_423 = tpu.matmul %max3A_418, %get3A_421, %dot_general3A_422 {dimension_numbers = #tpu.dot_dimension_numbers<[1], [0], [0], [1], [0, 0, 1, 1], [], []>, transpose_lhs_hint = false} : vector<256x64xf32>, vector<64x64xf32>, vector<256x64xf32> -> vector<256x64xf32>
    %add3A_424 = vector.broadcast %get3A_22 : vector<1x64xf32> to vector<256x64xf32>
    %add3A_425 = arith.addf %dot_general3A_423, %add3A_424 : vector<256x64xf32>
    %get3A_426 = arith.constant 0 : index
    %get3A_427 = arith.constant 0 : index
    %get3A_428 = vector.load %arg14[%get3A_426, %get3A_427] : memref<64x64xf32, #tpu.memory_space<vmem>>, vector<64x64xf32>
    %dot_general3A_429 = arith.constant dense<0.000000e+00> : vector<256x64xf32>
    %dot_general3A_430 = tpu.matmul %slice3A_394, %get3A_428, %dot_general3A_429 {dimension_numbers = #tpu.dot_dimension_numbers<[1], [0], [0], [1], [0, 0, 1, 1], [], []>, transpose_lhs_hint = false} : vector<256x64xf32>, vector<64x64xf32>, vector<256x64xf32> -> vector<256x64xf32>
    %get3A_431 = arith.constant 0 : index
    %get3A_432 = arith.constant 0 : index
    %get3A_433 = vector.load %arg15[%get3A_431, %get3A_432] : memref<64x64xf32, #tpu.memory_space<vmem>>, vector<64x64xf32>
    %dot_general3A_434 = arith.constant dense<0.000000e+00> : vector<256x64xf32>
    %dot_general3A_435 = tpu.matmul %slice3A_394, %get3A_433, %dot_general3A_434 {dimension_numbers = #tpu.dot_dimension_numbers<[1], [0], [0], [1], [0, 0, 1, 1], [], []>, transpose_lhs_hint = false} : vector<256x64xf32>, vector<64x64xf32>, vector<256x64xf32> -> vector<256x64xf32>
    %sub3A_436 = arith.subf %dot_general3A_32, %dot_general3A_430 : vector<256x64xf32>
    %add3A_437 = arith.addf %sub3A_436, %add3A_425 : vector<256x64xf32>
    %get3A_438 = arith.constant 0 : index
    %get3A_439 = arith.constant 0 : index
    %get3A_440 = vector.load %arg9[%get3A_438, %get3A_439] : memref<64x64xf32, #tpu.memory_space<vmem>>, vector<64x64xf32>
    %dot_general3A_441 = arith.constant dense<0.000000e+00> : vector<256x64xf32>
    %dot_general3A_442 = tpu.matmul %add3A_437, %get3A_440, %dot_general3A_441 {dimension_numbers = #tpu.dot_dimension_numbers<[1], [0], [0], [1], [0, 0, 1, 1], [], []>, transpose_lhs_hint = false} : vector<256x64xf32>, vector<64x64xf32>, vector<256x64xf32> -> vector<256x64xf32>
    %add3A_443 = vector.broadcast %get3A_25 : vector<1x64xf32> to vector<256x64xf32>
    %add3A_444 = arith.addf %dot_general3A_442, %add3A_443 : vector<256x64xf32>
    %max3A_445 = arith.constant 0.000000e+00 : f32
    %max3A_446 = vector.broadcast %max3A_445 : f32 to vector<256x64xf32>
    %max3A_447 = arith.maximumf %add3A_444, %max3A_446 : vector<256x64xf32>
    %get3A_448 = arith.constant 0 : index
    %get3A_449 = arith.constant 0 : index
    %get3A_450 = vector.load %arg11[%get3A_448, %get3A_449] : memref<64x64xf32, #tpu.memory_space<vmem>>, vector<64x64xf32>
    %dot_general3A_451 = arith.constant dense<0.000000e+00> : vector<256x64xf32>
    %dot_general3A_452 = tpu.matmul %max3A_447, %get3A_450, %dot_general3A_451 {dimension_numbers = #tpu.dot_dimension_numbers<[1], [0], [0], [1], [0, 0, 1, 1], [], []>, transpose_lhs_hint = false} : vector<256x64xf32>, vector<64x64xf32>, vector<256x64xf32> -> vector<256x64xf32>
    %add3A_453 = vector.broadcast %get3A_28 : vector<1x64xf32> to vector<256x64xf32>
    %add3A_454 = arith.addf %dot_general3A_452, %add3A_453 : vector<256x64xf32>
    %slice3A_455 = vector.extract_strided_slice %get3A_13 {offsets = [0, 896], sizes = [256, 64], strides = [1, 1]} : vector<256x2048xf32> to vector<256x64xf32>
    %slice3A_456 = vector.extract_strided_slice %get3A_13 {offsets = [0, 960], sizes = [256, 3], strides = [1, 1]} : vector<256x2048xf32> to vector<256x3xf32>
    %sub3A_457 = arith.subf %slice3A_456, %get3A_8 : vector<256x3xf32>
    %slice3A_458 = vector.extract_strided_slice %sub3A_457 {offsets = [0, 0], sizes = [256, 1], strides = [1, 1]} : vector<256x3xf32> to vector<256x1xf32>
    %slice3A_459 = vector.extract_strided_slice %get3A_16 {offsets = [0, 0], sizes = [1, 64], strides = [1, 1]} : vector<3x64xf32> to vector<1x64xf32>
    %mul3A_460 = vector.broadcast %slice3A_458 : vector<256x1xf32> to vector<256x64xf32>
    %mul3A_461 = vector.broadcast %slice3A_459 : vector<1x64xf32> to vector<256x64xf32>
    %mul3A_462 = arith.mulf %mul3A_460, %mul3A_461 : vector<256x64xf32>
    %slice3A_463 = vector.extract_strided_slice %sub3A_457 {offsets = [0, 1], sizes = [256, 1], strides = [1, 1]} : vector<256x3xf32> to vector<256x1xf32>
    %slice3A_464 = vector.extract_strided_slice %get3A_16 {offsets = [1, 0], sizes = [1, 64], strides = [1, 1]} : vector<3x64xf32> to vector<1x64xf32>
    %mul3A_465 = vector.broadcast %slice3A_463 : vector<256x1xf32> to vector<256x64xf32>
    %mul3A_466 = vector.broadcast %slice3A_464 : vector<1x64xf32> to vector<256x64xf32>
    %mul3A_467 = arith.mulf %mul3A_465, %mul3A_466 : vector<256x64xf32>
    %add3A_468 = arith.addf %mul3A_462, %mul3A_467 : vector<256x64xf32>
    %slice3A_469 = vector.extract_strided_slice %sub3A_457 {offsets = [0, 2], sizes = [256, 1], strides = [1, 1]} : vector<256x3xf32> to vector<256x1xf32>
    %slice3A_470 = vector.extract_strided_slice %get3A_16 {offsets = [2, 0], sizes = [1, 64], strides = [1, 1]} : vector<3x64xf32> to vector<1x64xf32>
    %mul3A_471 = vector.broadcast %slice3A_469 : vector<256x1xf32> to vector<256x64xf32>
    %mul3A_472 = vector.broadcast %slice3A_470 : vector<1x64xf32> to vector<256x64xf32>
    %mul3A_473 = arith.mulf %mul3A_471, %mul3A_472 : vector<256x64xf32>
    %add3A_474 = arith.addf %add3A_468, %mul3A_473 : vector<256x64xf32>
    %add3A_475 = vector.broadcast %get3A_19 : vector<1x64xf32> to vector<256x64xf32>
    %add3A_476 = arith.addf %add3A_474, %add3A_475 : vector<256x64xf32>
    %max3A_477 = arith.constant 0.000000e+00 : f32
    %max3A_478 = vector.broadcast %max3A_477 : f32 to vector<256x64xf32>
    %max3A_479 = arith.maximumf %add3A_476, %max3A_478 : vector<256x64xf32>
    %get3A_480 = arith.constant 0 : index
    %get3A_481 = arith.constant 0 : index
    %get3A_482 = vector.load %arg7[%get3A_480, %get3A_481] : memref<64x64xf32, #tpu.memory_space<vmem>>, vector<64x64xf32>
    %dot_general3A_483 = arith.constant dense<0.000000e+00> : vector<256x64xf32>
    %dot_general3A_484 = tpu.matmul %max3A_479, %get3A_482, %dot_general3A_483 {dimension_numbers = #tpu.dot_dimension_numbers<[1], [0], [0], [1], [0, 0, 1, 1], [], []>, transpose_lhs_hint = false} : vector<256x64xf32>, vector<64x64xf32>, vector<256x64xf32> -> vector<256x64xf32>
    %add3A_485 = vector.broadcast %get3A_22 : vector<1x64xf32> to vector<256x64xf32>
    %add3A_486 = arith.addf %dot_general3A_484, %add3A_485 : vector<256x64xf32>
    %get3A_487 = arith.constant 0 : index
    %get3A_488 = arith.constant 0 : index
    %get3A_489 = vector.load %arg14[%get3A_487, %get3A_488] : memref<64x64xf32, #tpu.memory_space<vmem>>, vector<64x64xf32>
    %dot_general3A_490 = arith.constant dense<0.000000e+00> : vector<256x64xf32>
    %dot_general3A_491 = tpu.matmul %slice3A_455, %get3A_489, %dot_general3A_490 {dimension_numbers = #tpu.dot_dimension_numbers<[1], [0], [0], [1], [0, 0, 1, 1], [], []>, transpose_lhs_hint = false} : vector<256x64xf32>, vector<64x64xf32>, vector<256x64xf32> -> vector<256x64xf32>
    %get3A_492 = arith.constant 0 : index
    %get3A_493 = arith.constant 0 : index
    %get3A_494 = vector.load %arg15[%get3A_492, %get3A_493] : memref<64x64xf32, #tpu.memory_space<vmem>>, vector<64x64xf32>
    %dot_general3A_495 = arith.constant dense<0.000000e+00> : vector<256x64xf32>
    %dot_general3A_496 = tpu.matmul %slice3A_455, %get3A_494, %dot_general3A_495 {dimension_numbers = #tpu.dot_dimension_numbers<[1], [0], [0], [1], [0, 0, 1, 1], [], []>, transpose_lhs_hint = false} : vector<256x64xf32>, vector<64x64xf32>, vector<256x64xf32> -> vector<256x64xf32>
    %sub3A_497 = arith.subf %dot_general3A_32, %dot_general3A_491 : vector<256x64xf32>
    %add3A_498 = arith.addf %sub3A_497, %add3A_486 : vector<256x64xf32>
    %get3A_499 = arith.constant 0 : index
    %get3A_500 = arith.constant 0 : index
    %get3A_501 = vector.load %arg9[%get3A_499, %get3A_500] : memref<64x64xf32, #tpu.memory_space<vmem>>, vector<64x64xf32>
    %dot_general3A_502 = arith.constant dense<0.000000e+00> : vector<256x64xf32>
    %dot_general3A_503 = tpu.matmul %add3A_498, %get3A_501, %dot_general3A_502 {dimension_numbers = #tpu.dot_dimension_numbers<[1], [0], [0], [1], [0, 0, 1, 1], [], []>, transpose_lhs_hint = false} : vector<256x64xf32>, vector<64x64xf32>, vector<256x64xf32> -> vector<256x64xf32>
    %add3A_504 = vector.broadcast %get3A_25 : vector<1x64xf32> to vector<256x64xf32>
    %add3A_505 = arith.addf %dot_general3A_503, %add3A_504 : vector<256x64xf32>
    %max3A_506 = arith.constant 0.000000e+00 : f32
    %max3A_507 = vector.broadcast %max3A_506 : f32 to vector<256x64xf32>
    %max3A_508 = arith.maximumf %add3A_505, %max3A_507 : vector<256x64xf32>
    %get3A_509 = arith.constant 0 : index
    %get3A_510 = arith.constant 0 : index
    %get3A_511 = vector.load %arg11[%get3A_509, %get3A_510] : memref<64x64xf32, #tpu.memory_space<vmem>>, vector<64x64xf32>
    %dot_general3A_512 = arith.constant dense<0.000000e+00> : vector<256x64xf32>
    %dot_general3A_513 = tpu.matmul %max3A_508, %get3A_511, %dot_general3A_512 {dimension_numbers = #tpu.dot_dimension_numbers<[1], [0], [0], [1], [0, 0, 1, 1], [], []>, transpose_lhs_hint = false} : vector<256x64xf32>, vector<64x64xf32>, vector<256x64xf32> -> vector<256x64xf32>
    %add3A_514 = vector.broadcast %get3A_28 : vector<1x64xf32> to vector<256x64xf32>
    %add3A_515 = arith.addf %dot_general3A_513, %add3A_514 : vector<256x64xf32>
    %slice3A_516 = vector.extract_strided_slice %get3A_13 {offsets = [0, 1024], sizes = [256, 64], strides = [1, 1]} : vector<256x2048xf32> to vector<256x64xf32>
    %slice3A_517 = vector.extract_strided_slice %get3A_13 {offsets = [0, 1088], sizes = [256, 3], strides = [1, 1]} : vector<256x2048xf32> to vector<256x3xf32>
    %sub3A_518 = arith.subf %slice3A_517, %get3A_8 : vector<256x3xf32>
    %slice3A_519 = vector.extract_strided_slice %sub3A_518 {offsets = [0, 0], sizes = [256, 1], strides = [1, 1]} : vector<256x3xf32> to vector<256x1xf32>
    %slice3A_520 = vector.extract_strided_slice %get3A_16 {offsets = [0, 0], sizes = [1, 64], strides = [1, 1]} : vector<3x64xf32> to vector<1x64xf32>
    %mul3A_521 = vector.broadcast %slice3A_519 : vector<256x1xf32> to vector<256x64xf32>
    %mul3A_522 = vector.broadcast %slice3A_520 : vector<1x64xf32> to vector<256x64xf32>
    %mul3A_523 = arith.mulf %mul3A_521, %mul3A_522 : vector<256x64xf32>
    %slice3A_524 = vector.extract_strided_slice %sub3A_518 {offsets = [0, 1], sizes = [256, 1], strides = [1, 1]} : vector<256x3xf32> to vector<256x1xf32>
    %slice3A_525 = vector.extract_strided_slice %get3A_16 {offsets = [1, 0], sizes = [1, 64], strides = [1, 1]} : vector<3x64xf32> to vector<1x64xf32>
    %mul3A_526 = vector.broadcast %slice3A_524 : vector<256x1xf32> to vector<256x64xf32>
    %mul3A_527 = vector.broadcast %slice3A_525 : vector<1x64xf32> to vector<256x64xf32>
    %mul3A_528 = arith.mulf %mul3A_526, %mul3A_527 : vector<256x64xf32>
    %add3A_529 = arith.addf %mul3A_523, %mul3A_528 : vector<256x64xf32>
    %slice3A_530 = vector.extract_strided_slice %sub3A_518 {offsets = [0, 2], sizes = [256, 1], strides = [1, 1]} : vector<256x3xf32> to vector<256x1xf32>
    %slice3A_531 = vector.extract_strided_slice %get3A_16 {offsets = [2, 0], sizes = [1, 64], strides = [1, 1]} : vector<3x64xf32> to vector<1x64xf32>
    %mul3A_532 = vector.broadcast %slice3A_530 : vector<256x1xf32> to vector<256x64xf32>
    %mul3A_533 = vector.broadcast %slice3A_531 : vector<1x64xf32> to vector<256x64xf32>
    %mul3A_534 = arith.mulf %mul3A_532, %mul3A_533 : vector<256x64xf32>
    %add3A_535 = arith.addf %add3A_529, %mul3A_534 : vector<256x64xf32>
    %add3A_536 = vector.broadcast %get3A_19 : vector<1x64xf32> to vector<256x64xf32>
    %add3A_537 = arith.addf %add3A_535, %add3A_536 : vector<256x64xf32>
    %max3A_538 = arith.constant 0.000000e+00 : f32
    %max3A_539 = vector.broadcast %max3A_538 : f32 to vector<256x64xf32>
    %max3A_540 = arith.maximumf %add3A_537, %max3A_539 : vector<256x64xf32>
    %get3A_541 = arith.constant 0 : index
    %get3A_542 = arith.constant 0 : index
    %get3A_543 = vector.load %arg7[%get3A_541, %get3A_542] : memref<64x64xf32, #tpu.memory_space<vmem>>, vector<64x64xf32>
    %dot_general3A_544 = arith.constant dense<0.000000e+00> : vector<256x64xf32>
    %dot_general3A_545 = tpu.matmul %max3A_540, %get3A_543, %dot_general3A_544 {dimension_numbers = #tpu.dot_dimension_numbers<[1], [0], [0], [1], [0, 0, 1, 1], [], []>, transpose_lhs_hint = false} : vector<256x64xf32>, vector<64x64xf32>, vector<256x64xf32> -> vector<256x64xf32>
    %add3A_546 = vector.broadcast %get3A_22 : vector<1x64xf32> to vector<256x64xf32>
    %add3A_547 = arith.addf %dot_general3A_545, %add3A_546 : vector<256x64xf32>
    %get3A_548 = arith.constant 0 : index
    %get3A_549 = arith.constant 0 : index
    %get3A_550 = vector.load %arg14[%get3A_548, %get3A_549] : memref<64x64xf32, #tpu.memory_space<vmem>>, vector<64x64xf32>
    %dot_general3A_551 = arith.constant dense<0.000000e+00> : vector<256x64xf32>
    %dot_general3A_552 = tpu.matmul %slice3A_516, %get3A_550, %dot_general3A_551 {dimension_numbers = #tpu.dot_dimension_numbers<[1], [0], [0], [1], [0, 0, 1, 1], [], []>, transpose_lhs_hint = false} : vector<256x64xf32>, vector<64x64xf32>, vector<256x64xf32> -> vector<256x64xf32>
    %get3A_553 = arith.constant 0 : index
    %get3A_554 = arith.constant 0 : index
    %get3A_555 = vector.load %arg15[%get3A_553, %get3A_554] : memref<64x64xf32, #tpu.memory_space<vmem>>, vector<64x64xf32>
    %dot_general3A_556 = arith.constant dense<0.000000e+00> : vector<256x64xf32>
    %dot_general3A_557 = tpu.matmul %slice3A_516, %get3A_555, %dot_general3A_556 {dimension_numbers = #tpu.dot_dimension_numbers<[1], [0], [0], [1], [0, 0, 1, 1], [], []>, transpose_lhs_hint = false} : vector<256x64xf32>, vector<64x64xf32>, vector<256x64xf32> -> vector<256x64xf32>
    %sub3A_558 = arith.subf %dot_general3A_32, %dot_general3A_552 : vector<256x64xf32>
    %add3A_559 = arith.addf %sub3A_558, %add3A_547 : vector<256x64xf32>
    %get3A_560 = arith.constant 0 : index
    %get3A_561 = arith.constant 0 : index
    %get3A_562 = vector.load %arg9[%get3A_560, %get3A_561] : memref<64x64xf32, #tpu.memory_space<vmem>>, vector<64x64xf32>
    %dot_general3A_563 = arith.constant dense<0.000000e+00> : vector<256x64xf32>
    %dot_general3A_564 = tpu.matmul %add3A_559, %get3A_562, %dot_general3A_563 {dimension_numbers = #tpu.dot_dimension_numbers<[1], [0], [0], [1], [0, 0, 1, 1], [], []>, transpose_lhs_hint = false} : vector<256x64xf32>, vector<64x64xf32>, vector<256x64xf32> -> vector<256x64xf32>
    %add3A_565 = vector.broadcast %get3A_25 : vector<1x64xf32> to vector<256x64xf32>
    %add3A_566 = arith.addf %dot_general3A_564, %add3A_565 : vector<256x64xf32>
    %max3A_567 = arith.constant 0.000000e+00 : f32
    %max3A_568 = vector.broadcast %max3A_567 : f32 to vector<256x64xf32>
    %max3A_569 = arith.maximumf %add3A_566, %max3A_568 : vector<256x64xf32>
    %get3A_570 = arith.constant 0 : index
    %get3A_571 = arith.constant 0 : index
    %get3A_572 = vector.load %arg11[%get3A_570, %get3A_571] : memref<64x64xf32, #tpu.memory_space<vmem>>, vector<64x64xf32>
    %dot_general3A_573 = arith.constant dense<0.000000e+00> : vector<256x64xf32>
    %dot_general3A_574 = tpu.matmul %max3A_569, %get3A_572, %dot_general3A_573 {dimension_numbers = #tpu.dot_dimension_numbers<[1], [0], [0], [1], [0, 0, 1, 1], [], []>, transpose_lhs_hint = false} : vector<256x64xf32>, vector<64x64xf32>, vector<256x64xf32> -> vector<256x64xf32>
    %add3A_575 = vector.broadcast %get3A_28 : vector<1x64xf32> to vector<256x64xf32>
    %add3A_576 = arith.addf %dot_general3A_574, %add3A_575 : vector<256x64xf32>
    %slice3A_577 = vector.extract_strided_slice %get3A_13 {offsets = [0, 1152], sizes = [256, 64], strides = [1, 1]} : vector<256x2048xf32> to vector<256x64xf32>
    %slice3A_578 = vector.extract_strided_slice %get3A_13 {offsets = [0, 1216], sizes = [256, 3], strides = [1, 1]} : vector<256x2048xf32> to vector<256x3xf32>
    %sub3A_579 = arith.subf %slice3A_578, %get3A_8 : vector<256x3xf32>
    %slice3A_580 = vector.extract_strided_slice %sub3A_579 {offsets = [0, 0], sizes = [256, 1], strides = [1, 1]} : vector<256x3xf32> to vector<256x1xf32>
    %slice3A_581 = vector.extract_strided_slice %get3A_16 {offsets = [0, 0], sizes = [1, 64], strides = [1, 1]} : vector<3x64xf32> to vector<1x64xf32>
    %mul3A_582 = vector.broadcast %slice3A_580 : vector<256x1xf32> to vector<256x64xf32>
    %mul3A_583 = vector.broadcast %slice3A_581 : vector<1x64xf32> to vector<256x64xf32>
    %mul3A_584 = arith.mulf %mul3A_582, %mul3A_583 : vector<256x64xf32>
    %slice3A_585 = vector.extract_strided_slice %sub3A_579 {offsets = [0, 1], sizes = [256, 1], strides = [1, 1]} : vector<256x3xf32> to vector<256x1xf32>
    %slice3A_586 = vector.extract_strided_slice %get3A_16 {offsets = [1, 0], sizes = [1, 64], strides = [1, 1]} : vector<3x64xf32> to vector<1x64xf32>
    %mul3A_587 = vector.broadcast %slice3A_585 : vector<256x1xf32> to vector<256x64xf32>
    %mul3A_588 = vector.broadcast %slice3A_586 : vector<1x64xf32> to vector<256x64xf32>
    %mul3A_589 = arith.mulf %mul3A_587, %mul3A_588 : vector<256x64xf32>
    %add3A_590 = arith.addf %mul3A_584, %mul3A_589 : vector<256x64xf32>
    %slice3A_591 = vector.extract_strided_slice %sub3A_579 {offsets = [0, 2], sizes = [256, 1], strides = [1, 1]} : vector<256x3xf32> to vector<256x1xf32>
    %slice3A_592 = vector.extract_strided_slice %get3A_16 {offsets = [2, 0], sizes = [1, 64], strides = [1, 1]} : vector<3x64xf32> to vector<1x64xf32>
    %mul3A_593 = vector.broadcast %slice3A_591 : vector<256x1xf32> to vector<256x64xf32>
    %mul3A_594 = vector.broadcast %slice3A_592 : vector<1x64xf32> to vector<256x64xf32>
    %mul3A_595 = arith.mulf %mul3A_593, %mul3A_594 : vector<256x64xf32>
    %add3A_596 = arith.addf %add3A_590, %mul3A_595 : vector<256x64xf32>
    %add3A_597 = vector.broadcast %get3A_19 : vector<1x64xf32> to vector<256x64xf32>
    %add3A_598 = arith.addf %add3A_596, %add3A_597 : vector<256x64xf32>
    %max3A_599 = arith.constant 0.000000e+00 : f32
    %max3A_600 = vector.broadcast %max3A_599 : f32 to vector<256x64xf32>
    %max3A_601 = arith.maximumf %add3A_598, %max3A_600 : vector<256x64xf32>
    %get3A_602 = arith.constant 0 : index
    %get3A_603 = arith.constant 0 : index
    %get3A_604 = vector.load %arg7[%get3A_602, %get3A_603] : memref<64x64xf32, #tpu.memory_space<vmem>>, vector<64x64xf32>
    %dot_general3A_605 = arith.constant dense<0.000000e+00> : vector<256x64xf32>
    %dot_general3A_606 = tpu.matmul %max3A_601, %get3A_604, %dot_general3A_605 {dimension_numbers = #tpu.dot_dimension_numbers<[1], [0], [0], [1], [0, 0, 1, 1], [], []>, transpose_lhs_hint = false} : vector<256x64xf32>, vector<64x64xf32>, vector<256x64xf32> -> vector<256x64xf32>
    %add3A_607 = vector.broadcast %get3A_22 : vector<1x64xf32> to vector<256x64xf32>
    %add3A_608 = arith.addf %dot_general3A_606, %add3A_607 : vector<256x64xf32>
    %get3A_609 = arith.constant 0 : index
    %get3A_610 = arith.constant 0 : index
    %get3A_611 = vector.load %arg14[%get3A_609, %get3A_610] : memref<64x64xf32, #tpu.memory_space<vmem>>, vector<64x64xf32>
    %dot_general3A_612 = arith.constant dense<0.000000e+00> : vector<256x64xf32>
    %dot_general3A_613 = tpu.matmul %slice3A_577, %get3A_611, %dot_general3A_612 {dimension_numbers = #tpu.dot_dimension_numbers<[1], [0], [0], [1], [0, 0, 1, 1], [], []>, transpose_lhs_hint = false} : vector<256x64xf32>, vector<64x64xf32>, vector<256x64xf32> -> vector<256x64xf32>
    %get3A_614 = arith.constant 0 : index
    %get3A_615 = arith.constant 0 : index
    %get3A_616 = vector.load %arg15[%get3A_614, %get3A_615] : memref<64x64xf32, #tpu.memory_space<vmem>>, vector<64x64xf32>
    %dot_general3A_617 = arith.constant dense<0.000000e+00> : vector<256x64xf32>
    %dot_general3A_618 = tpu.matmul %slice3A_577, %get3A_616, %dot_general3A_617 {dimension_numbers = #tpu.dot_dimension_numbers<[1], [0], [0], [1], [0, 0, 1, 1], [], []>, transpose_lhs_hint = false} : vector<256x64xf32>, vector<64x64xf32>, vector<256x64xf32> -> vector<256x64xf32>
    %sub3A_619 = arith.subf %dot_general3A_32, %dot_general3A_613 : vector<256x64xf32>
    %add3A_620 = arith.addf %sub3A_619, %add3A_608 : vector<256x64xf32>
    %get3A_621 = arith.constant 0 : index
    %get3A_622 = arith.constant 0 : index
    %get3A_623 = vector.load %arg9[%get3A_621, %get3A_622] : memref<64x64xf32, #tpu.memory_space<vmem>>, vector<64x64xf32>
    %dot_general3A_624 = arith.constant dense<0.000000e+00> : vector<256x64xf32>
    %dot_general3A_625 = tpu.matmul %add3A_620, %get3A_623, %dot_general3A_624 {dimension_numbers = #tpu.dot_dimension_numbers<[1], [0], [0], [1], [0, 0, 1, 1], [], []>, transpose_lhs_hint = false} : vector<256x64xf32>, vector<64x64xf32>, vector<256x64xf32> -> vector<256x64xf32>
    %add3A_626 = vector.broadcast %get3A_25 : vector<1x64xf32> to vector<256x64xf32>
    %add3A_627 = arith.addf %dot_general3A_625, %add3A_626 : vector<256x64xf32>
    %max3A_628 = arith.constant 0.000000e+00 : f32
    %max3A_629 = vector.broadcast %max3A_628 : f32 to vector<256x64xf32>
    %max3A_630 = arith.maximumf %add3A_627, %max3A_629 : vector<256x64xf32>
    %get3A_631 = arith.constant 0 : index
    %get3A_632 = arith.constant 0 : index
    %get3A_633 = vector.load %arg11[%get3A_631, %get3A_632] : memref<64x64xf32, #tpu.memory_space<vmem>>, vector<64x64xf32>
    %dot_general3A_634 = arith.constant dense<0.000000e+00> : vector<256x64xf32>
    %dot_general3A_635 = tpu.matmul %max3A_630, %get3A_633, %dot_general3A_634 {dimension_numbers = #tpu.dot_dimension_numbers<[1], [0], [0], [1], [0, 0, 1, 1], [], []>, transpose_lhs_hint = false} : vector<256x64xf32>, vector<64x64xf32>, vector<256x64xf32> -> vector<256x64xf32>
    %add3A_636 = vector.broadcast %get3A_28 : vector<1x64xf32> to vector<256x64xf32>
    %add3A_637 = arith.addf %dot_general3A_635, %add3A_636 : vector<256x64xf32>
    %slice3A_638 = vector.extract_strided_slice %get3A_13 {offsets = [0, 1280], sizes = [256, 64], strides = [1, 1]} : vector<256x2048xf32> to vector<256x64xf32>
    %slice3A_639 = vector.extract_strided_slice %get3A_13 {offsets = [0, 1344], sizes = [256, 3], strides = [1, 1]} : vector<256x2048xf32> to vector<256x3xf32>
    %sub3A_640 = arith.subf %slice3A_639, %get3A_8 : vector<256x3xf32>
    %slice3A_641 = vector.extract_strided_slice %sub3A_640 {offsets = [0, 0], sizes = [256, 1], strides = [1, 1]} : vector<256x3xf32> to vector<256x1xf32>
    %slice3A_642 = vector.extract_strided_slice %get3A_16 {offsets = [0, 0], sizes = [1, 64], strides = [1, 1]} : vector<3x64xf32> to vector<1x64xf32>
    %mul3A_643 = vector.broadcast %slice3A_641 : vector<256x1xf32> to vector<256x64xf32>
    %mul3A_644 = vector.broadcast %slice3A_642 : vector<1x64xf32> to vector<256x64xf32>
    %mul3A_645 = arith.mulf %mul3A_643, %mul3A_644 : vector<256x64xf32>
    %slice3A_646 = vector.extract_strided_slice %sub3A_640 {offsets = [0, 1], sizes = [256, 1], strides = [1, 1]} : vector<256x3xf32> to vector<256x1xf32>
    %slice3A_647 = vector.extract_strided_slice %get3A_16 {offsets = [1, 0], sizes = [1, 64], strides = [1, 1]} : vector<3x64xf32> to vector<1x64xf32>
    %mul3A_648 = vector.broadcast %slice3A_646 : vector<256x1xf32> to vector<256x64xf32>
    %mul3A_649 = vector.broadcast %slice3A_647 : vector<1x64xf32> to vector<256x64xf32>
    %mul3A_650 = arith.mulf %mul3A_648, %mul3A_649 : vector<256x64xf32>
    %add3A_651 = arith.addf %mul3A_645, %mul3A_650 : vector<256x64xf32>
    %slice3A_652 = vector.extract_strided_slice %sub3A_640 {offsets = [0, 2], sizes = [256, 1], strides = [1, 1]} : vector<256x3xf32> to vector<256x1xf32>
    %slice3A_653 = vector.extract_strided_slice %get3A_16 {offsets = [2, 0], sizes = [1, 64], strides = [1, 1]} : vector<3x64xf32> to vector<1x64xf32>
    %mul3A_654 = vector.broadcast %slice3A_652 : vector<256x1xf32> to vector<256x64xf32>
    %mul3A_655 = vector.broadcast %slice3A_653 : vector<1x64xf32> to vector<256x64xf32>
    %mul3A_656 = arith.mulf %mul3A_654, %mul3A_655 : vector<256x64xf32>
    %add3A_657 = arith.addf %add3A_651, %mul3A_656 : vector<256x64xf32>
    %add3A_658 = vector.broadcast %get3A_19 : vector<1x64xf32> to vector<256x64xf32>
    %add3A_659 = arith.addf %add3A_657, %add3A_658 : vector<256x64xf32>
    %max3A_660 = arith.constant 0.000000e+00 : f32
    %max3A_661 = vector.broadcast %max3A_660 : f32 to vector<256x64xf32>
    %max3A_662 = arith.maximumf %add3A_659, %max3A_661 : vector<256x64xf32>
    %get3A_663 = arith.constant 0 : index
    %get3A_664 = arith.constant 0 : index
    %get3A_665 = vector.load %arg7[%get3A_663, %get3A_664] : memref<64x64xf32, #tpu.memory_space<vmem>>, vector<64x64xf32>
    %dot_general3A_666 = arith.constant dense<0.000000e+00> : vector<256x64xf32>
    %dot_general3A_667 = tpu.matmul %max3A_662, %get3A_665, %dot_general3A_666 {dimension_numbers = #tpu.dot_dimension_numbers<[1], [0], [0], [1], [0, 0, 1, 1], [], []>, transpose_lhs_hint = false} : vector<256x64xf32>, vector<64x64xf32>, vector<256x64xf32> -> vector<256x64xf32>
    %add3A_668 = vector.broadcast %get3A_22 : vector<1x64xf32> to vector<256x64xf32>
    %add3A_669 = arith.addf %dot_general3A_667, %add3A_668 : vector<256x64xf32>
    %get3A_670 = arith.constant 0 : index
    %get3A_671 = arith.constant 0 : index
    %get3A_672 = vector.load %arg14[%get3A_670, %get3A_671] : memref<64x64xf32, #tpu.memory_space<vmem>>, vector<64x64xf32>
    %dot_general3A_673 = arith.constant dense<0.000000e+00> : vector<256x64xf32>
    %dot_general3A_674 = tpu.matmul %slice3A_638, %get3A_672, %dot_general3A_673 {dimension_numbers = #tpu.dot_dimension_numbers<[1], [0], [0], [1], [0, 0, 1, 1], [], []>, transpose_lhs_hint = false} : vector<256x64xf32>, vector<64x64xf32>, vector<256x64xf32> -> vector<256x64xf32>
    %get3A_675 = arith.constant 0 : index
    %get3A_676 = arith.constant 0 : index
    %get3A_677 = vector.load %arg15[%get3A_675, %get3A_676] : memref<64x64xf32, #tpu.memory_space<vmem>>, vector<64x64xf32>
    %dot_general3A_678 = arith.constant dense<0.000000e+00> : vector<256x64xf32>
    %dot_general3A_679 = tpu.matmul %slice3A_638, %get3A_677, %dot_general3A_678 {dimension_numbers = #tpu.dot_dimension_numbers<[1], [0], [0], [1], [0, 0, 1, 1], [], []>, transpose_lhs_hint = false} : vector<256x64xf32>, vector<64x64xf32>, vector<256x64xf32> -> vector<256x64xf32>
    %sub3A_680 = arith.subf %dot_general3A_32, %dot_general3A_674 : vector<256x64xf32>
    %add3A_681 = arith.addf %sub3A_680, %add3A_669 : vector<256x64xf32>
    %get3A_682 = arith.constant 0 : index
    %get3A_683 = arith.constant 0 : index
    %get3A_684 = vector.load %arg9[%get3A_682, %get3A_683] : memref<64x64xf32, #tpu.memory_space<vmem>>, vector<64x64xf32>
    %dot_general3A_685 = arith.constant dense<0.000000e+00> : vector<256x64xf32>
    %dot_general3A_686 = tpu.matmul %add3A_681, %get3A_684, %dot_general3A_685 {dimension_numbers = #tpu.dot_dimension_numbers<[1], [0], [0], [1], [0, 0, 1, 1], [], []>, transpose_lhs_hint = false} : vector<256x64xf32>, vector<64x64xf32>, vector<256x64xf32> -> vector<256x64xf32>
    %add3A_687 = vector.broadcast %get3A_25 : vector<1x64xf32> to vector<256x64xf32>
    %add3A_688 = arith.addf %dot_general3A_686, %add3A_687 : vector<256x64xf32>
    %max3A_689 = arith.constant 0.000000e+00 : f32
    %max3A_690 = vector.broadcast %max3A_689 : f32 to vector<256x64xf32>
    %max3A_691 = arith.maximumf %add3A_688, %max3A_690 : vector<256x64xf32>
    %get3A_692 = arith.constant 0 : index
    %get3A_693 = arith.constant 0 : index
    %get3A_694 = vector.load %arg11[%get3A_692, %get3A_693] : memref<64x64xf32, #tpu.memory_space<vmem>>, vector<64x64xf32>
    %dot_general3A_695 = arith.constant dense<0.000000e+00> : vector<256x64xf32>
    %dot_general3A_696 = tpu.matmul %max3A_691, %get3A_694, %dot_general3A_695 {dimension_numbers = #tpu.dot_dimension_numbers<[1], [0], [0], [1], [0, 0, 1, 1], [], []>, transpose_lhs_hint = false} : vector<256x64xf32>, vector<64x64xf32>, vector<256x64xf32> -> vector<256x64xf32>
    %add3A_697 = vector.broadcast %get3A_28 : vector<1x64xf32> to vector<256x64xf32>
    %add3A_698 = arith.addf %dot_general3A_696, %add3A_697 : vector<256x64xf32>
    %slice3A_699 = vector.extract_strided_slice %get3A_13 {offsets = [0, 1408], sizes = [256, 64], strides = [1, 1]} : vector<256x2048xf32> to vector<256x64xf32>
    %slice3A_700 = vector.extract_strided_slice %get3A_13 {offsets = [0, 1472], sizes = [256, 3], strides = [1, 1]} : vector<256x2048xf32> to vector<256x3xf32>
    %sub3A_701 = arith.subf %slice3A_700, %get3A_8 : vector<256x3xf32>
    %slice3A_702 = vector.extract_strided_slice %sub3A_701 {offsets = [0, 0], sizes = [256, 1], strides = [1, 1]} : vector<256x3xf32> to vector<256x1xf32>
    %slice3A_703 = vector.extract_strided_slice %get3A_16 {offsets = [0, 0], sizes = [1, 64], strides = [1, 1]} : vector<3x64xf32> to vector<1x64xf32>
    %mul3A_704 = vector.broadcast %slice3A_702 : vector<256x1xf32> to vector<256x64xf32>
    %mul3A_705 = vector.broadcast %slice3A_703 : vector<1x64xf32> to vector<256x64xf32>
    %mul3A_706 = arith.mulf %mul3A_704, %mul3A_705 : vector<256x64xf32>
    %slice3A_707 = vector.extract_strided_slice %sub3A_701 {offsets = [0, 1], sizes = [256, 1], strides = [1, 1]} : vector<256x3xf32> to vector<256x1xf32>
    %slice3A_708 = vector.extract_strided_slice %get3A_16 {offsets = [1, 0], sizes = [1, 64], strides = [1, 1]} : vector<3x64xf32> to vector<1x64xf32>
    %mul3A_709 = vector.broadcast %slice3A_707 : vector<256x1xf32> to vector<256x64xf32>
    %mul3A_710 = vector.broadcast %slice3A_708 : vector<1x64xf32> to vector<256x64xf32>
    %mul3A_711 = arith.mulf %mul3A_709, %mul3A_710 : vector<256x64xf32>
    %add3A_712 = arith.addf %mul3A_706, %mul3A_711 : vector<256x64xf32>
    %slice3A_713 = vector.extract_strided_slice %sub3A_701 {offsets = [0, 2], sizes = [256, 1], strides = [1, 1]} : vector<256x3xf32> to vector<256x1xf32>
    %slice3A_714 = vector.extract_strided_slice %get3A_16 {offsets = [2, 0], sizes = [1, 64], strides = [1, 1]} : vector<3x64xf32> to vector<1x64xf32>
    %mul3A_715 = vector.broadcast %slice3A_713 : vector<256x1xf32> to vector<256x64xf32>
    %mul3A_716 = vector.broadcast %slice3A_714 : vector<1x64xf32> to vector<256x64xf32>
    %mul3A_717 = arith.mulf %mul3A_715, %mul3A_716 : vector<256x64xf32>
    %add3A_718 = arith.addf %add3A_712, %mul3A_717 : vector<256x64xf32>
    %add3A_719 = vector.broadcast %get3A_19 : vector<1x64xf32> to vector<256x64xf32>
    %add3A_720 = arith.addf %add3A_718, %add3A_719 : vector<256x64xf32>
    %max3A_721 = arith.constant 0.000000e+00 : f32
    %max3A_722 = vector.broadcast %max3A_721 : f32 to vector<256x64xf32>
    %max3A_723 = arith.maximumf %add3A_720, %max3A_722 : vector<256x64xf32>
    %get3A_724 = arith.constant 0 : index
    %get3A_725 = arith.constant 0 : index
    %get3A_726 = vector.load %arg7[%get3A_724, %get3A_725] : memref<64x64xf32, #tpu.memory_space<vmem>>, vector<64x64xf32>
    %dot_general3A_727 = arith.constant dense<0.000000e+00> : vector<256x64xf32>
    %dot_general3A_728 = tpu.matmul %max3A_723, %get3A_726, %dot_general3A_727 {dimension_numbers = #tpu.dot_dimension_numbers<[1], [0], [0], [1], [0, 0, 1, 1], [], []>, transpose_lhs_hint = false} : vector<256x64xf32>, vector<64x64xf32>, vector<256x64xf32> -> vector<256x64xf32>
    %add3A_729 = vector.broadcast %get3A_22 : vector<1x64xf32> to vector<256x64xf32>
    %add3A_730 = arith.addf %dot_general3A_728, %add3A_729 : vector<256x64xf32>
    %get3A_731 = arith.constant 0 : index
    %get3A_732 = arith.constant 0 : index
    %get3A_733 = vector.load %arg14[%get3A_731, %get3A_732] : memref<64x64xf32, #tpu.memory_space<vmem>>, vector<64x64xf32>
    %dot_general3A_734 = arith.constant dense<0.000000e+00> : vector<256x64xf32>
    %dot_general3A_735 = tpu.matmul %slice3A_699, %get3A_733, %dot_general3A_734 {dimension_numbers = #tpu.dot_dimension_numbers<[1], [0], [0], [1], [0, 0, 1, 1], [], []>, transpose_lhs_hint = false} : vector<256x64xf32>, vector<64x64xf32>, vector<256x64xf32> -> vector<256x64xf32>
    %get3A_736 = arith.constant 0 : index
    %get3A_737 = arith.constant 0 : index
    %get3A_738 = vector.load %arg15[%get3A_736, %get3A_737] : memref<64x64xf32, #tpu.memory_space<vmem>>, vector<64x64xf32>
    %dot_general3A_739 = arith.constant dense<0.000000e+00> : vector<256x64xf32>
    %dot_general3A_740 = tpu.matmul %slice3A_699, %get3A_738, %dot_general3A_739 {dimension_numbers = #tpu.dot_dimension_numbers<[1], [0], [0], [1], [0, 0, 1, 1], [], []>, transpose_lhs_hint = false} : vector<256x64xf32>, vector<64x64xf32>, vector<256x64xf32> -> vector<256x64xf32>
    %sub3A_741 = arith.subf %dot_general3A_32, %dot_general3A_735 : vector<256x64xf32>
    %add3A_742 = arith.addf %sub3A_741, %add3A_730 : vector<256x64xf32>
    %get3A_743 = arith.constant 0 : index
    %get3A_744 = arith.constant 0 : index
    %get3A_745 = vector.load %arg9[%get3A_743, %get3A_744] : memref<64x64xf32, #tpu.memory_space<vmem>>, vector<64x64xf32>
    %dot_general3A_746 = arith.constant dense<0.000000e+00> : vector<256x64xf32>
    %dot_general3A_747 = tpu.matmul %add3A_742, %get3A_745, %dot_general3A_746 {dimension_numbers = #tpu.dot_dimension_numbers<[1], [0], [0], [1], [0, 0, 1, 1], [], []>, transpose_lhs_hint = false} : vector<256x64xf32>, vector<64x64xf32>, vector<256x64xf32> -> vector<256x64xf32>
    %add3A_748 = vector.broadcast %get3A_25 : vector<1x64xf32> to vector<256x64xf32>
    %add3A_749 = arith.addf %dot_general3A_747, %add3A_748 : vector<256x64xf32>
    %max3A_750 = arith.constant 0.000000e+00 : f32
    %max3A_751 = vector.broadcast %max3A_750 : f32 to vector<256x64xf32>
    %max3A_752 = arith.maximumf %add3A_749, %max3A_751 : vector<256x64xf32>
    %get3A_753 = arith.constant 0 : index
    %get3A_754 = arith.constant 0 : index
    %get3A_755 = vector.load %arg11[%get3A_753, %get3A_754] : memref<64x64xf32, #tpu.memory_space<vmem>>, vector<64x64xf32>
    %dot_general3A_756 = arith.constant dense<0.000000e+00> : vector<256x64xf32>
    %dot_general3A_757 = tpu.matmul %max3A_752, %get3A_755, %dot_general3A_756 {dimension_numbers = #tpu.dot_dimension_numbers<[1], [0], [0], [1], [0, 0, 1, 1], [], []>, transpose_lhs_hint = false} : vector<256x64xf32>, vector<64x64xf32>, vector<256x64xf32> -> vector<256x64xf32>
    %add3A_758 = vector.broadcast %get3A_28 : vector<1x64xf32> to vector<256x64xf32>
    %add3A_759 = arith.addf %dot_general3A_757, %add3A_758 : vector<256x64xf32>
    %slice3A_760 = vector.extract_strided_slice %get3A_13 {offsets = [0, 1536], sizes = [256, 64], strides = [1, 1]} : vector<256x2048xf32> to vector<256x64xf32>
    %slice3A_761 = vector.extract_strided_slice %get3A_13 {offsets = [0, 1600], sizes = [256, 3], strides = [1, 1]} : vector<256x2048xf32> to vector<256x3xf32>
    %sub3A_762 = arith.subf %slice3A_761, %get3A_8 : vector<256x3xf32>
    %slice3A_763 = vector.extract_strided_slice %sub3A_762 {offsets = [0, 0], sizes = [256, 1], strides = [1, 1]} : vector<256x3xf32> to vector<256x1xf32>
    %slice3A_764 = vector.extract_strided_slice %get3A_16 {offsets = [0, 0], sizes = [1, 64], strides = [1, 1]} : vector<3x64xf32> to vector<1x64xf32>
    %mul3A_765 = vector.broadcast %slice3A_763 : vector<256x1xf32> to vector<256x64xf32>
    %mul3A_766 = vector.broadcast %slice3A_764 : vector<1x64xf32> to vector<256x64xf32>
    %mul3A_767 = arith.mulf %mul3A_765, %mul3A_766 : vector<256x64xf32>
    %slice3A_768 = vector.extract_strided_slice %sub3A_762 {offsets = [0, 1], sizes = [256, 1], strides = [1, 1]} : vector<256x3xf32> to vector<256x1xf32>
    %slice3A_769 = vector.extract_strided_slice %get3A_16 {offsets = [1, 0], sizes = [1, 64], strides = [1, 1]} : vector<3x64xf32> to vector<1x64xf32>
    %mul3A_770 = vector.broadcast %slice3A_768 : vector<256x1xf32> to vector<256x64xf32>
    %mul3A_771 = vector.broadcast %slice3A_769 : vector<1x64xf32> to vector<256x64xf32>
    %mul3A_772 = arith.mulf %mul3A_770, %mul3A_771 : vector<256x64xf32>
    %add3A_773 = arith.addf %mul3A_767, %mul3A_772 : vector<256x64xf32>
    %slice3A_774 = vector.extract_strided_slice %sub3A_762 {offsets = [0, 2], sizes = [256, 1], strides = [1, 1]} : vector<256x3xf32> to vector<256x1xf32>
    %slice3A_775 = vector.extract_strided_slice %get3A_16 {offsets = [2, 0], sizes = [1, 64], strides = [1, 1]} : vector<3x64xf32> to vector<1x64xf32>
    %mul3A_776 = vector.broadcast %slice3A_774 : vector<256x1xf32> to vector<256x64xf32>
    %mul3A_777 = vector.broadcast %slice3A_775 : vector<1x64xf32> to vector<256x64xf32>
    %mul3A_778 = arith.mulf %mul3A_776, %mul3A_777 : vector<256x64xf32>
    %add3A_779 = arith.addf %add3A_773, %mul3A_778 : vector<256x64xf32>
    %add3A_780 = vector.broadcast %get3A_19 : vector<1x64xf32> to vector<256x64xf32>
    %add3A_781 = arith.addf %add3A_779, %add3A_780 : vector<256x64xf32>
    %max3A_782 = arith.constant 0.000000e+00 : f32
    %max3A_783 = vector.broadcast %max3A_782 : f32 to vector<256x64xf32>
    %max3A_784 = arith.maximumf %add3A_781, %max3A_783 : vector<256x64xf32>
    %get3A_785 = arith.constant 0 : index
    %get3A_786 = arith.constant 0 : index
    %get3A_787 = vector.load %arg7[%get3A_785, %get3A_786] : memref<64x64xf32, #tpu.memory_space<vmem>>, vector<64x64xf32>
    %dot_general3A_788 = arith.constant dense<0.000000e+00> : vector<256x64xf32>
    %dot_general3A_789 = tpu.matmul %max3A_784, %get3A_787, %dot_general3A_788 {dimension_numbers = #tpu.dot_dimension_numbers<[1], [0], [0], [1], [0, 0, 1, 1], [], []>, transpose_lhs_hint = false} : vector<256x64xf32>, vector<64x64xf32>, vector<256x64xf32> -> vector<256x64xf32>
    %add3A_790 = vector.broadcast %get3A_22 : vector<1x64xf32> to vector<256x64xf32>
    %add3A_791 = arith.addf %dot_general3A_789, %add3A_790 : vector<256x64xf32>
    %get3A_792 = arith.constant 0 : index
    %get3A_793 = arith.constant 0 : index
    %get3A_794 = vector.load %arg14[%get3A_792, %get3A_793] : memref<64x64xf32, #tpu.memory_space<vmem>>, vector<64x64xf32>
    %dot_general3A_795 = arith.constant dense<0.000000e+00> : vector<256x64xf32>
    %dot_general3A_796 = tpu.matmul %slice3A_760, %get3A_794, %dot_general3A_795 {dimension_numbers = #tpu.dot_dimension_numbers<[1], [0], [0], [1], [0, 0, 1, 1], [], []>, transpose_lhs_hint = false} : vector<256x64xf32>, vector<64x64xf32>, vector<256x64xf32> -> vector<256x64xf32>
    %get3A_797 = arith.constant 0 : index
    %get3A_798 = arith.constant 0 : index
    %get3A_799 = vector.load %arg15[%get3A_797, %get3A_798] : memref<64x64xf32, #tpu.memory_space<vmem>>, vector<64x64xf32>
    %dot_general3A_800 = arith.constant dense<0.000000e+00> : vector<256x64xf32>
    %dot_general3A_801 = tpu.matmul %slice3A_760, %get3A_799, %dot_general3A_800 {dimension_numbers = #tpu.dot_dimension_numbers<[1], [0], [0], [1], [0, 0, 1, 1], [], []>, transpose_lhs_hint = false} : vector<256x64xf32>, vector<64x64xf32>, vector<256x64xf32> -> vector<256x64xf32>
    %sub3A_802 = arith.subf %dot_general3A_32, %dot_general3A_796 : vector<256x64xf32>
    %add3A_803 = arith.addf %sub3A_802, %add3A_791 : vector<256x64xf32>
    %get3A_804 = arith.constant 0 : index
    %get3A_805 = arith.constant 0 : index
    %get3A_806 = vector.load %arg9[%get3A_804, %get3A_805] : memref<64x64xf32, #tpu.memory_space<vmem>>, vector<64x64xf32>
    %dot_general3A_807 = arith.constant dense<0.000000e+00> : vector<256x64xf32>
    %dot_general3A_808 = tpu.matmul %add3A_803, %get3A_806, %dot_general3A_807 {dimension_numbers = #tpu.dot_dimension_numbers<[1], [0], [0], [1], [0, 0, 1, 1], [], []>, transpose_lhs_hint = false} : vector<256x64xf32>, vector<64x64xf32>, vector<256x64xf32> -> vector<256x64xf32>
    %add3A_809 = vector.broadcast %get3A_25 : vector<1x64xf32> to vector<256x64xf32>
    %add3A_810 = arith.addf %dot_general3A_808, %add3A_809 : vector<256x64xf32>
    %max3A_811 = arith.constant 0.000000e+00 : f32
    %max3A_812 = vector.broadcast %max3A_811 : f32 to vector<256x64xf32>
    %max3A_813 = arith.maximumf %add3A_810, %max3A_812 : vector<256x64xf32>
    %get3A_814 = arith.constant 0 : index
    %get3A_815 = arith.constant 0 : index
    %get3A_816 = vector.load %arg11[%get3A_814, %get3A_815] : memref<64x64xf32, #tpu.memory_space<vmem>>, vector<64x64xf32>
    %dot_general3A_817 = arith.constant dense<0.000000e+00> : vector<256x64xf32>
    %dot_general3A_818 = tpu.matmul %max3A_813, %get3A_816, %dot_general3A_817 {dimension_numbers = #tpu.dot_dimension_numbers<[1], [0], [0], [1], [0, 0, 1, 1], [], []>, transpose_lhs_hint = false} : vector<256x64xf32>, vector<64x64xf32>, vector<256x64xf32> -> vector<256x64xf32>
    %add3A_819 = vector.broadcast %get3A_28 : vector<1x64xf32> to vector<256x64xf32>
    %add3A_820 = arith.addf %dot_general3A_818, %add3A_819 : vector<256x64xf32>
    %slice3A_821 = vector.extract_strided_slice %get3A_13 {offsets = [0, 1664], sizes = [256, 64], strides = [1, 1]} : vector<256x2048xf32> to vector<256x64xf32>
    %slice3A_822 = vector.extract_strided_slice %get3A_13 {offsets = [0, 1728], sizes = [256, 3], strides = [1, 1]} : vector<256x2048xf32> to vector<256x3xf32>
    %sub3A_823 = arith.subf %slice3A_822, %get3A_8 : vector<256x3xf32>
    %slice3A_824 = vector.extract_strided_slice %sub3A_823 {offsets = [0, 0], sizes = [256, 1], strides = [1, 1]} : vector<256x3xf32> to vector<256x1xf32>
    %slice3A_825 = vector.extract_strided_slice %get3A_16 {offsets = [0, 0], sizes = [1, 64], strides = [1, 1]} : vector<3x64xf32> to vector<1x64xf32>
    %mul3A_826 = vector.broadcast %slice3A_824 : vector<256x1xf32> to vector<256x64xf32>
    %mul3A_827 = vector.broadcast %slice3A_825 : vector<1x64xf32> to vector<256x64xf32>
    %mul3A_828 = arith.mulf %mul3A_826, %mul3A_827 : vector<256x64xf32>
    %slice3A_829 = vector.extract_strided_slice %sub3A_823 {offsets = [0, 1], sizes = [256, 1], strides = [1, 1]} : vector<256x3xf32> to vector<256x1xf32>
    %slice3A_830 = vector.extract_strided_slice %get3A_16 {offsets = [1, 0], sizes = [1, 64], strides = [1, 1]} : vector<3x64xf32> to vector<1x64xf32>
    %mul3A_831 = vector.broadcast %slice3A_829 : vector<256x1xf32> to vector<256x64xf32>
    %mul3A_832 = vector.broadcast %slice3A_830 : vector<1x64xf32> to vector<256x64xf32>
    %mul3A_833 = arith.mulf %mul3A_831, %mul3A_832 : vector<256x64xf32>
    %add3A_834 = arith.addf %mul3A_828, %mul3A_833 : vector<256x64xf32>
    %slice3A_835 = vector.extract_strided_slice %sub3A_823 {offsets = [0, 2], sizes = [256, 1], strides = [1, 1]} : vector<256x3xf32> to vector<256x1xf32>
    %slice3A_836 = vector.extract_strided_slice %get3A_16 {offsets = [2, 0], sizes = [1, 64], strides = [1, 1]} : vector<3x64xf32> to vector<1x64xf32>
    %mul3A_837 = vector.broadcast %slice3A_835 : vector<256x1xf32> to vector<256x64xf32>
    %mul3A_838 = vector.broadcast %slice3A_836 : vector<1x64xf32> to vector<256x64xf32>
    %mul3A_839 = arith.mulf %mul3A_837, %mul3A_838 : vector<256x64xf32>
    %add3A_840 = arith.addf %add3A_834, %mul3A_839 : vector<256x64xf32>
    %add3A_841 = vector.broadcast %get3A_19 : vector<1x64xf32> to vector<256x64xf32>
    %add3A_842 = arith.addf %add3A_840, %add3A_841 : vector<256x64xf32>
    %max3A_843 = arith.constant 0.000000e+00 : f32
    %max3A_844 = vector.broadcast %max3A_843 : f32 to vector<256x64xf32>
    %max3A_845 = arith.maximumf %add3A_842, %max3A_844 : vector<256x64xf32>
    %get3A_846 = arith.constant 0 : index
    %get3A_847 = arith.constant 0 : index
    %get3A_848 = vector.load %arg7[%get3A_846, %get3A_847] : memref<64x64xf32, #tpu.memory_space<vmem>>, vector<64x64xf32>
    %dot_general3A_849 = arith.constant dense<0.000000e+00> : vector<256x64xf32>
    %dot_general3A_850 = tpu.matmul %max3A_845, %get3A_848, %dot_general3A_849 {dimension_numbers = #tpu.dot_dimension_numbers<[1], [0], [0], [1], [0, 0, 1, 1], [], []>, transpose_lhs_hint = false} : vector<256x64xf32>, vector<64x64xf32>, vector<256x64xf32> -> vector<256x64xf32>
    %add3A_851 = vector.broadcast %get3A_22 : vector<1x64xf32> to vector<256x64xf32>
    %add3A_852 = arith.addf %dot_general3A_850, %add3A_851 : vector<256x64xf32>
    %get3A_853 = arith.constant 0 : index
    %get3A_854 = arith.constant 0 : index
    %get3A_855 = vector.load %arg14[%get3A_853, %get3A_854] : memref<64x64xf32, #tpu.memory_space<vmem>>, vector<64x64xf32>
    %dot_general3A_856 = arith.constant dense<0.000000e+00> : vector<256x64xf32>
    %dot_general3A_857 = tpu.matmul %slice3A_821, %get3A_855, %dot_general3A_856 {dimension_numbers = #tpu.dot_dimension_numbers<[1], [0], [0], [1], [0, 0, 1, 1], [], []>, transpose_lhs_hint = false} : vector<256x64xf32>, vector<64x64xf32>, vector<256x64xf32> -> vector<256x64xf32>
    %get3A_858 = arith.constant 0 : index
    %get3A_859 = arith.constant 0 : index
    %get3A_860 = vector.load %arg15[%get3A_858, %get3A_859] : memref<64x64xf32, #tpu.memory_space<vmem>>, vector<64x64xf32>
    %dot_general3A_861 = arith.constant dense<0.000000e+00> : vector<256x64xf32>
    %dot_general3A_862 = tpu.matmul %slice3A_821, %get3A_860, %dot_general3A_861 {dimension_numbers = #tpu.dot_dimension_numbers<[1], [0], [0], [1], [0, 0, 1, 1], [], []>, transpose_lhs_hint = false} : vector<256x64xf32>, vector<64x64xf32>, vector<256x64xf32> -> vector<256x64xf32>
    %sub3A_863 = arith.subf %dot_general3A_32, %dot_general3A_857 : vector<256x64xf32>
    %add3A_864 = arith.addf %sub3A_863, %add3A_852 : vector<256x64xf32>
    %get3A_865 = arith.constant 0 : index
    %get3A_866 = arith.constant 0 : index
    %get3A_867 = vector.load %arg9[%get3A_865, %get3A_866] : memref<64x64xf32, #tpu.memory_space<vmem>>, vector<64x64xf32>
    %dot_general3A_868 = arith.constant dense<0.000000e+00> : vector<256x64xf32>
    %dot_general3A_869 = tpu.matmul %add3A_864, %get3A_867, %dot_general3A_868 {dimension_numbers = #tpu.dot_dimension_numbers<[1], [0], [0], [1], [0, 0, 1, 1], [], []>, transpose_lhs_hint = false} : vector<256x64xf32>, vector<64x64xf32>, vector<256x64xf32> -> vector<256x64xf32>
    %add3A_870 = vector.broadcast %get3A_25 : vector<1x64xf32> to vector<256x64xf32>
    %add3A_871 = arith.addf %dot_general3A_869, %add3A_870 : vector<256x64xf32>
    %max3A_872 = arith.constant 0.000000e+00 : f32
    %max3A_873 = vector.broadcast %max3A_872 : f32 to vector<256x64xf32>
    %max3A_874 = arith.maximumf %add3A_871, %max3A_873 : vector<256x64xf32>
    %get3A_875 = arith.constant 0 : index
    %get3A_876 = arith.constant 0 : index
    %get3A_877 = vector.load %arg11[%get3A_875, %get3A_876] : memref<64x64xf32, #tpu.memory_space<vmem>>, vector<64x64xf32>
    %dot_general3A_878 = arith.constant dense<0.000000e+00> : vector<256x64xf32>
    %dot_general3A_879 = tpu.matmul %max3A_874, %get3A_877, %dot_general3A_878 {dimension_numbers = #tpu.dot_dimension_numbers<[1], [0], [0], [1], [0, 0, 1, 1], [], []>, transpose_lhs_hint = false} : vector<256x64xf32>, vector<64x64xf32>, vector<256x64xf32> -> vector<256x64xf32>
    %add3A_880 = vector.broadcast %get3A_28 : vector<1x64xf32> to vector<256x64xf32>
    %add3A_881 = arith.addf %dot_general3A_879, %add3A_880 : vector<256x64xf32>
    %slice3A_882 = vector.extract_strided_slice %get3A_13 {offsets = [0, 1792], sizes = [256, 64], strides = [1, 1]} : vector<256x2048xf32> to vector<256x64xf32>
    %slice3A_883 = vector.extract_strided_slice %get3A_13 {offsets = [0, 1856], sizes = [256, 3], strides = [1, 1]} : vector<256x2048xf32> to vector<256x3xf32>
    %sub3A_884 = arith.subf %slice3A_883, %get3A_8 : vector<256x3xf32>
    %slice3A_885 = vector.extract_strided_slice %sub3A_884 {offsets = [0, 0], sizes = [256, 1], strides = [1, 1]} : vector<256x3xf32> to vector<256x1xf32>
    %slice3A_886 = vector.extract_strided_slice %get3A_16 {offsets = [0, 0], sizes = [1, 64], strides = [1, 1]} : vector<3x64xf32> to vector<1x64xf32>
    %mul3A_887 = vector.broadcast %slice3A_885 : vector<256x1xf32> to vector<256x64xf32>
    %mul3A_888 = vector.broadcast %slice3A_886 : vector<1x64xf32> to vector<256x64xf32>
    %mul3A_889 = arith.mulf %mul3A_887, %mul3A_888 : vector<256x64xf32>
    %slice3A_890 = vector.extract_strided_slice %sub3A_884 {offsets = [0, 1], sizes = [256, 1], strides = [1, 1]} : vector<256x3xf32> to vector<256x1xf32>
    %slice3A_891 = vector.extract_strided_slice %get3A_16 {offsets = [1, 0], sizes = [1, 64], strides = [1, 1]} : vector<3x64xf32> to vector<1x64xf32>
    %mul3A_892 = vector.broadcast %slice3A_890 : vector<256x1xf32> to vector<256x64xf32>
    %mul3A_893 = vector.broadcast %slice3A_891 : vector<1x64xf32> to vector<256x64xf32>
    %mul3A_894 = arith.mulf %mul3A_892, %mul3A_893 : vector<256x64xf32>
    %add3A_895 = arith.addf %mul3A_889, %mul3A_894 : vector<256x64xf32>
    %slice3A_896 = vector.extract_strided_slice %sub3A_884 {offsets = [0, 2], sizes = [256, 1], strides = [1, 1]} : vector<256x3xf32> to vector<256x1xf32>
    %slice3A_897 = vector.extract_strided_slice %get3A_16 {offsets = [2, 0], sizes = [1, 64], strides = [1, 1]} : vector<3x64xf32> to vector<1x64xf32>
    %mul3A_898 = vector.broadcast %slice3A_896 : vector<256x1xf32> to vector<256x64xf32>
    %mul3A_899 = vector.broadcast %slice3A_897 : vector<1x64xf32> to vector<256x64xf32>
    %mul3A_900 = arith.mulf %mul3A_898, %mul3A_899 : vector<256x64xf32>
    %add3A_901 = arith.addf %add3A_895, %mul3A_900 : vector<256x64xf32>
    %add3A_902 = vector.broadcast %get3A_19 : vector<1x64xf32> to vector<256x64xf32>
    %add3A_903 = arith.addf %add3A_901, %add3A_902 : vector<256x64xf32>
    %max3A_904 = arith.constant 0.000000e+00 : f32
    %max3A_905 = vector.broadcast %max3A_904 : f32 to vector<256x64xf32>
    %max3A_906 = arith.maximumf %add3A_903, %max3A_905 : vector<256x64xf32>
    %get3A_907 = arith.constant 0 : index
    %get3A_908 = arith.constant 0 : index
    %get3A_909 = vector.load %arg7[%get3A_907, %get3A_908] : memref<64x64xf32, #tpu.memory_space<vmem>>, vector<64x64xf32>
    %dot_general3A_910 = arith.constant dense<0.000000e+00> : vector<256x64xf32>
    %dot_general3A_911 = tpu.matmul %max3A_906, %get3A_909, %dot_general3A_910 {dimension_numbers = #tpu.dot_dimension_numbers<[1], [0], [0], [1], [0, 0, 1, 1], [], []>, transpose_lhs_hint = false} : vector<256x64xf32>, vector<64x64xf32>, vector<256x64xf32> -> vector<256x64xf32>
    %add3A_912 = vector.broadcast %get3A_22 : vector<1x64xf32> to vector<256x64xf32>
    %add3A_913 = arith.addf %dot_general3A_911, %add3A_912 : vector<256x64xf32>
    %get3A_914 = arith.constant 0 : index
    %get3A_915 = arith.constant 0 : index
    %get3A_916 = vector.load %arg14[%get3A_914, %get3A_915] : memref<64x64xf32, #tpu.memory_space<vmem>>, vector<64x64xf32>
    %dot_general3A_917 = arith.constant dense<0.000000e+00> : vector<256x64xf32>
    %dot_general3A_918 = tpu.matmul %slice3A_882, %get3A_916, %dot_general3A_917 {dimension_numbers = #tpu.dot_dimension_numbers<[1], [0], [0], [1], [0, 0, 1, 1], [], []>, transpose_lhs_hint = false} : vector<256x64xf32>, vector<64x64xf32>, vector<256x64xf32> -> vector<256x64xf32>
    %get3A_919 = arith.constant 0 : index
    %get3A_920 = arith.constant 0 : index
    %get3A_921 = vector.load %arg15[%get3A_919, %get3A_920] : memref<64x64xf32, #tpu.memory_space<vmem>>, vector<64x64xf32>
    %dot_general3A_922 = arith.constant dense<0.000000e+00> : vector<256x64xf32>
    %dot_general3A_923 = tpu.matmul %slice3A_882, %get3A_921, %dot_general3A_922 {dimension_numbers = #tpu.dot_dimension_numbers<[1], [0], [0], [1], [0, 0, 1, 1], [], []>, transpose_lhs_hint = false} : vector<256x64xf32>, vector<64x64xf32>, vector<256x64xf32> -> vector<256x64xf32>
    %sub3A_924 = arith.subf %dot_general3A_32, %dot_general3A_918 : vector<256x64xf32>
    %add3A_925 = arith.addf %sub3A_924, %add3A_913 : vector<256x64xf32>
    %get3A_926 = arith.constant 0 : index
    %get3A_927 = arith.constant 0 : index
    %get3A_928 = vector.load %arg9[%get3A_926, %get3A_927] : memref<64x64xf32, #tpu.memory_space<vmem>>, vector<64x64xf32>
    %dot_general3A_929 = arith.constant dense<0.000000e+00> : vector<256x64xf32>
    %dot_general3A_930 = tpu.matmul %add3A_925, %get3A_928, %dot_general3A_929 {dimension_numbers = #tpu.dot_dimension_numbers<[1], [0], [0], [1], [0, 0, 1, 1], [], []>, transpose_lhs_hint = false} : vector<256x64xf32>, vector<64x64xf32>, vector<256x64xf32> -> vector<256x64xf32>
    %add3A_931 = vector.broadcast %get3A_25 : vector<1x64xf32> to vector<256x64xf32>
    %add3A_932 = arith.addf %dot_general3A_930, %add3A_931 : vector<256x64xf32>
    %max3A_933 = arith.constant 0.000000e+00 : f32
    %max3A_934 = vector.broadcast %max3A_933 : f32 to vector<256x64xf32>
    %max3A_935 = arith.maximumf %add3A_932, %max3A_934 : vector<256x64xf32>
    %get3A_936 = arith.constant 0 : index
    %get3A_937 = arith.constant 0 : index
    %get3A_938 = vector.load %arg11[%get3A_936, %get3A_937] : memref<64x64xf32, #tpu.memory_space<vmem>>, vector<64x64xf32>
    %dot_general3A_939 = arith.constant dense<0.000000e+00> : vector<256x64xf32>
    %dot_general3A_940 = tpu.matmul %max3A_935, %get3A_938, %dot_general3A_939 {dimension_numbers = #tpu.dot_dimension_numbers<[1], [0], [0], [1], [0, 0, 1, 1], [], []>, transpose_lhs_hint = false} : vector<256x64xf32>, vector<64x64xf32>, vector<256x64xf32> -> vector<256x64xf32>
    %add3A_941 = vector.broadcast %get3A_28 : vector<1x64xf32> to vector<256x64xf32>
    %add3A_942 = arith.addf %dot_general3A_940, %add3A_941 : vector<256x64xf32>
    %slice3A_943 = vector.extract_strided_slice %get3A_13 {offsets = [0, 1920], sizes = [256, 64], strides = [1, 1]} : vector<256x2048xf32> to vector<256x64xf32>
    %slice3A_944 = vector.extract_strided_slice %get3A_13 {offsets = [0, 1984], sizes = [256, 3], strides = [1, 1]} : vector<256x2048xf32> to vector<256x3xf32>
    %sub3A_945 = arith.subf %slice3A_944, %get3A_8 : vector<256x3xf32>
    %slice3A_946 = vector.extract_strided_slice %sub3A_945 {offsets = [0, 0], sizes = [256, 1], strides = [1, 1]} : vector<256x3xf32> to vector<256x1xf32>
    %slice3A_947 = vector.extract_strided_slice %get3A_16 {offsets = [0, 0], sizes = [1, 64], strides = [1, 1]} : vector<3x64xf32> to vector<1x64xf32>
    %mul3A_948 = vector.broadcast %slice3A_946 : vector<256x1xf32> to vector<256x64xf32>
    %mul3A_949 = vector.broadcast %slice3A_947 : vector<1x64xf32> to vector<256x64xf32>
    %mul3A_950 = arith.mulf %mul3A_948, %mul3A_949 : vector<256x64xf32>
    %slice3A_951 = vector.extract_strided_slice %sub3A_945 {offsets = [0, 1], sizes = [256, 1], strides = [1, 1]} : vector<256x3xf32> to vector<256x1xf32>
    %slice3A_952 = vector.extract_strided_slice %get3A_16 {offsets = [1, 0], sizes = [1, 64], strides = [1, 1]} : vector<3x64xf32> to vector<1x64xf32>
    %mul3A_953 = vector.broadcast %slice3A_951 : vector<256x1xf32> to vector<256x64xf32>
    %mul3A_954 = vector.broadcast %slice3A_952 : vector<1x64xf32> to vector<256x64xf32>
    %mul3A_955 = arith.mulf %mul3A_953, %mul3A_954 : vector<256x64xf32>
    %add3A_956 = arith.addf %mul3A_950, %mul3A_955 : vector<256x64xf32>
    %slice3A_957 = vector.extract_strided_slice %sub3A_945 {offsets = [0, 2], sizes = [256, 1], strides = [1, 1]} : vector<256x3xf32> to vector<256x1xf32>
    %slice3A_958 = vector.extract_strided_slice %get3A_16 {offsets = [2, 0], sizes = [1, 64], strides = [1, 1]} : vector<3x64xf32> to vector<1x64xf32>
    %mul3A_959 = vector.broadcast %slice3A_957 : vector<256x1xf32> to vector<256x64xf32>
    %mul3A_960 = vector.broadcast %slice3A_958 : vector<1x64xf32> to vector<256x64xf32>
    %mul3A_961 = arith.mulf %mul3A_959, %mul3A_960 : vector<256x64xf32>
    %add3A_962 = arith.addf %add3A_956, %mul3A_961 : vector<256x64xf32>
    %add3A_963 = vector.broadcast %get3A_19 : vector<1x64xf32> to vector<256x64xf32>
    %add3A_964 = arith.addf %add3A_962, %add3A_963 : vector<256x64xf32>
    %max3A_965 = arith.constant 0.000000e+00 : f32
    %max3A_966 = vector.broadcast %max3A_965 : f32 to vector<256x64xf32>
    %max3A_967 = arith.maximumf %add3A_964, %max3A_966 : vector<256x64xf32>
    %get3A_968 = arith.constant 0 : index
    %get3A_969 = arith.constant 0 : index
    %get3A_970 = vector.load %arg7[%get3A_968, %get3A_969] : memref<64x64xf32, #tpu.memory_space<vmem>>, vector<64x64xf32>
    %dot_general3A_971 = arith.constant dense<0.000000e+00> : vector<256x64xf32>
    %dot_general3A_972 = tpu.matmul %max3A_967, %get3A_970, %dot_general3A_971 {dimension_numbers = #tpu.dot_dimension_numbers<[1], [0], [0], [1], [0, 0, 1, 1], [], []>, transpose_lhs_hint = false} : vector<256x64xf32>, vector<64x64xf32>, vector<256x64xf32> -> vector<256x64xf32>
    %add3A_973 = vector.broadcast %get3A_22 : vector<1x64xf32> to vector<256x64xf32>
    %add3A_974 = arith.addf %dot_general3A_972, %add3A_973 : vector<256x64xf32>
    %get3A_975 = arith.constant 0 : index
    %get3A_976 = arith.constant 0 : index
    %get3A_977 = vector.load %arg14[%get3A_975, %get3A_976] : memref<64x64xf32, #tpu.memory_space<vmem>>, vector<64x64xf32>
    %dot_general3A_978 = arith.constant dense<0.000000e+00> : vector<256x64xf32>
    %dot_general3A_979 = tpu.matmul %slice3A_943, %get3A_977, %dot_general3A_978 {dimension_numbers = #tpu.dot_dimension_numbers<[1], [0], [0], [1], [0, 0, 1, 1], [], []>, transpose_lhs_hint = false} : vector<256x64xf32>, vector<64x64xf32>, vector<256x64xf32> -> vector<256x64xf32>
    %get3A_980 = arith.constant 0 : index
    %get3A_981 = arith.constant 0 : index
    %get3A_982 = vector.load %arg15[%get3A_980, %get3A_981] : memref<64x64xf32, #tpu.memory_space<vmem>>, vector<64x64xf32>
    %dot_general3A_983 = arith.constant dense<0.000000e+00> : vector<256x64xf32>
    %dot_general3A_984 = tpu.matmul %slice3A_943, %get3A_982, %dot_general3A_983 {dimension_numbers = #tpu.dot_dimension_numbers<[1], [0], [0], [1], [0, 0, 1, 1], [], []>, transpose_lhs_hint = false} : vector<256x64xf32>, vector<64x64xf32>, vector<256x64xf32> -> vector<256x64xf32>
    %sub3A_985 = arith.subf %dot_general3A_32, %dot_general3A_979 : vector<256x64xf32>
    %add3A_986 = arith.addf %sub3A_985, %add3A_974 : vector<256x64xf32>
    %get3A_987 = arith.constant 0 : index
    %get3A_988 = arith.constant 0 : index
    %get3A_989 = vector.load %arg9[%get3A_987, %get3A_988] : memref<64x64xf32, #tpu.memory_space<vmem>>, vector<64x64xf32>
    %dot_general3A_990 = arith.constant dense<0.000000e+00> : vector<256x64xf32>
    %dot_general3A_991 = tpu.matmul %add3A_986, %get3A_989, %dot_general3A_990 {dimension_numbers = #tpu.dot_dimension_numbers<[1], [0], [0], [1], [0, 0, 1, 1], [], []>, transpose_lhs_hint = false} : vector<256x64xf32>, vector<64x64xf32>, vector<256x64xf32> -> vector<256x64xf32>
    %add3A_992 = vector.broadcast %get3A_25 : vector<1x64xf32> to vector<256x64xf32>
    %add3A_993 = arith.addf %dot_general3A_991, %add3A_992 : vector<256x64xf32>
    %max3A_994 = arith.constant 0.000000e+00 : f32
    %max3A_995 = vector.broadcast %max3A_994 : f32 to vector<256x64xf32>
    %max3A_996 = arith.maximumf %add3A_993, %max3A_995 : vector<256x64xf32>
    %get3A_997 = arith.constant 0 : index
    %get3A_998 = arith.constant 0 : index
    %get3A_999 = vector.load %arg11[%get3A_997, %get3A_998] : memref<64x64xf32, #tpu.memory_space<vmem>>, vector<64x64xf32>
    %dot_general3A_1000 = arith.constant dense<0.000000e+00> : vector<256x64xf32>
    %dot_general3A_1001 = tpu.matmul %max3A_996, %get3A_999, %dot_general3A_1000 {dimension_numbers = #tpu.dot_dimension_numbers<[1], [0], [0], [1], [0, 0, 1, 1], [], []>, transpose_lhs_hint = false} : vector<256x64xf32>, vector<64x64xf32>, vector<256x64xf32> -> vector<256x64xf32>
    %add3A_1002 = vector.broadcast %get3A_28 : vector<1x64xf32> to vector<256x64xf32>
    %add3A_1003 = arith.addf %dot_general3A_1001, %add3A_1002 : vector<256x64xf32>
    %max3A_1004 = arith.maximumf %add3A_88, %add3A_149 : vector<256x64xf32>
    %max3A_1005 = arith.maximumf %max3A_1004, %add3A_210 : vector<256x64xf32>
    %max3A_1006 = arith.maximumf %max3A_1005, %add3A_271 : vector<256x64xf32>
    %max3A_1007 = arith.maximumf %max3A_1006, %add3A_332 : vector<256x64xf32>
    %max3A_1008 = arith.maximumf %max3A_1007, %add3A_393 : vector<256x64xf32>
    %max3A_1009 = arith.maximumf %max3A_1008, %add3A_454 : vector<256x64xf32>
    %max3A_1010 = arith.maximumf %max3A_1009, %add3A_515 : vector<256x64xf32>
    %max3A_1011 = arith.maximumf %max3A_1010, %add3A_576 : vector<256x64xf32>
    %max3A_1012 = arith.maximumf %max3A_1011, %add3A_637 : vector<256x64xf32>
    %max3A_1013 = arith.maximumf %max3A_1012, %add3A_698 : vector<256x64xf32>
    %max3A_1014 = arith.maximumf %max3A_1013, %add3A_759 : vector<256x64xf32>
    %max3A_1015 = arith.maximumf %max3A_1014, %add3A_820 : vector<256x64xf32>
    %max3A_1016 = arith.maximumf %max3A_1015, %add3A_881 : vector<256x64xf32>
    %max3A_1017 = arith.maximumf %max3A_1016, %add3A_942 : vector<256x64xf32>
    %max3A_1018 = arith.maximumf %max3A_1017, %add3A_1003 : vector<256x64xf32>
    %sub3A_1019 = arith.subf %add3A_88, %max3A_1018 : vector<256x64xf32>
    %exp3A = math.exp %sub3A_1019 : vector<256x64xf32>
    %mul3A_1020 = arith.mulf %exp3A, %dot_general3A_69 : vector<256x64xf32>
    %sub3A_1021 = arith.subf %add3A_149, %max3A_1018 : vector<256x64xf32>
    %exp3A_1022 = math.exp %sub3A_1021 : vector<256x64xf32>
    %add3A_1023 = arith.addf %exp3A, %exp3A_1022 : vector<256x64xf32>
    %mul3A_1024 = arith.mulf %exp3A_1022, %dot_general3A_130 : vector<256x64xf32>
    %add3A_1025 = arith.addf %mul3A_1020, %mul3A_1024 : vector<256x64xf32>
    %sub3A_1026 = arith.subf %add3A_210, %max3A_1018 : vector<256x64xf32>
    %exp3A_1027 = math.exp %sub3A_1026 : vector<256x64xf32>
    %add3A_1028 = arith.addf %add3A_1023, %exp3A_1027 : vector<256x64xf32>
    %mul3A_1029 = arith.mulf %exp3A_1027, %dot_general3A_191 : vector<256x64xf32>
    %add3A_1030 = arith.addf %add3A_1025, %mul3A_1029 : vector<256x64xf32>
    %sub3A_1031 = arith.subf %add3A_271, %max3A_1018 : vector<256x64xf32>
    %exp3A_1032 = math.exp %sub3A_1031 : vector<256x64xf32>
    %add3A_1033 = arith.addf %add3A_1028, %exp3A_1032 : vector<256x64xf32>
    %mul3A_1034 = arith.mulf %exp3A_1032, %dot_general3A_252 : vector<256x64xf32>
    %add3A_1035 = arith.addf %add3A_1030, %mul3A_1034 : vector<256x64xf32>
    %sub3A_1036 = arith.subf %add3A_332, %max3A_1018 : vector<256x64xf32>
    %exp3A_1037 = math.exp %sub3A_1036 : vector<256x64xf32>
    %add3A_1038 = arith.addf %add3A_1033, %exp3A_1037 : vector<256x64xf32>
    %mul3A_1039 = arith.mulf %exp3A_1037, %dot_general3A_313 : vector<256x64xf32>
    %add3A_1040 = arith.addf %add3A_1035, %mul3A_1039 : vector<256x64xf32>
    %sub3A_1041 = arith.subf %add3A_393, %max3A_1018 : vector<256x64xf32>
    %exp3A_1042 = math.exp %sub3A_1041 : vector<256x64xf32>
    %add3A_1043 = arith.addf %add3A_1038, %exp3A_1042 : vector<256x64xf32>
    %mul3A_1044 = arith.mulf %exp3A_1042, %dot_general3A_374 : vector<256x64xf32>
    %add3A_1045 = arith.addf %add3A_1040, %mul3A_1044 : vector<256x64xf32>
    %sub3A_1046 = arith.subf %add3A_454, %max3A_1018 : vector<256x64xf32>
    %exp3A_1047 = math.exp %sub3A_1046 : vector<256x64xf32>
    %add3A_1048 = arith.addf %add3A_1043, %exp3A_1047 : vector<256x64xf32>
    %mul3A_1049 = arith.mulf %exp3A_1047, %dot_general3A_435 : vector<256x64xf32>
    %add3A_1050 = arith.addf %add3A_1045, %mul3A_1049 : vector<256x64xf32>
    %sub3A_1051 = arith.subf %add3A_515, %max3A_1018 : vector<256x64xf32>
    %exp3A_1052 = math.exp %sub3A_1051 : vector<256x64xf32>
    %add3A_1053 = arith.addf %add3A_1048, %exp3A_1052 : vector<256x64xf32>
    %mul3A_1054 = arith.mulf %exp3A_1052, %dot_general3A_496 : vector<256x64xf32>
    %add3A_1055 = arith.addf %add3A_1050, %mul3A_1054 : vector<256x64xf32>
    %sub3A_1056 = arith.subf %add3A_576, %max3A_1018 : vector<256x64xf32>
    %exp3A_1057 = math.exp %sub3A_1056 : vector<256x64xf32>
    %add3A_1058 = arith.addf %add3A_1053, %exp3A_1057 : vector<256x64xf32>
    %mul3A_1059 = arith.mulf %exp3A_1057, %dot_general3A_557 : vector<256x64xf32>
    %add3A_1060 = arith.addf %add3A_1055, %mul3A_1059 : vector<256x64xf32>
    %sub3A_1061 = arith.subf %add3A_637, %max3A_1018 : vector<256x64xf32>
    %exp3A_1062 = math.exp %sub3A_1061 : vector<256x64xf32>
    %add3A_1063 = arith.addf %add3A_1058, %exp3A_1062 : vector<256x64xf32>
    %mul3A_1064 = arith.mulf %exp3A_1062, %dot_general3A_618 : vector<256x64xf32>
    %add3A_1065 = arith.addf %add3A_1060, %mul3A_1064 : vector<256x64xf32>
    %sub3A_1066 = arith.subf %add3A_698, %max3A_1018 : vector<256x64xf32>
    %exp3A_1067 = math.exp %sub3A_1066 : vector<256x64xf32>
    %add3A_1068 = arith.addf %add3A_1063, %exp3A_1067 : vector<256x64xf32>
    %mul3A_1069 = arith.mulf %exp3A_1067, %dot_general3A_679 : vector<256x64xf32>
    %add3A_1070 = arith.addf %add3A_1065, %mul3A_1069 : vector<256x64xf32>
    %sub3A_1071 = arith.subf %add3A_759, %max3A_1018 : vector<256x64xf32>
    %exp3A_1072 = math.exp %sub3A_1071 : vector<256x64xf32>
    %add3A_1073 = arith.addf %add3A_1068, %exp3A_1072 : vector<256x64xf32>
    %mul3A_1074 = arith.mulf %exp3A_1072, %dot_general3A_740 : vector<256x64xf32>
    %add3A_1075 = arith.addf %add3A_1070, %mul3A_1074 : vector<256x64xf32>
    %sub3A_1076 = arith.subf %add3A_820, %max3A_1018 : vector<256x64xf32>
    %exp3A_1077 = math.exp %sub3A_1076 : vector<256x64xf32>
    %add3A_1078 = arith.addf %add3A_1073, %exp3A_1077 : vector<256x64xf32>
    %mul3A_1079 = arith.mulf %exp3A_1077, %dot_general3A_801 : vector<256x64xf32>
    %add3A_1080 = arith.addf %add3A_1075, %mul3A_1079 : vector<256x64xf32>
    %sub3A_1081 = arith.subf %add3A_881, %max3A_1018 : vector<256x64xf32>
    %exp3A_1082 = math.exp %sub3A_1081 : vector<256x64xf32>
    %add3A_1083 = arith.addf %add3A_1078, %exp3A_1082 : vector<256x64xf32>
    %mul3A_1084 = arith.mulf %exp3A_1082, %dot_general3A_862 : vector<256x64xf32>
    %add3A_1085 = arith.addf %add3A_1080, %mul3A_1084 : vector<256x64xf32>
    %sub3A_1086 = arith.subf %add3A_942, %max3A_1018 : vector<256x64xf32>
    %exp3A_1087 = math.exp %sub3A_1086 : vector<256x64xf32>
    %add3A_1088 = arith.addf %add3A_1083, %exp3A_1087 : vector<256x64xf32>
    %mul3A_1089 = arith.mulf %exp3A_1087, %dot_general3A_923 : vector<256x64xf32>
    %add3A_1090 = arith.addf %add3A_1085, %mul3A_1089 : vector<256x64xf32>
    %sub3A_1091 = arith.subf %add3A_1003, %max3A_1018 : vector<256x64xf32>
    %exp3A_1092 = math.exp %sub3A_1091 : vector<256x64xf32>
    %add3A_1093 = arith.addf %add3A_1088, %exp3A_1092 : vector<256x64xf32>
    %mul3A_1094 = arith.mulf %exp3A_1092, %dot_general3A_984 : vector<256x64xf32>
    %add3A_1095 = arith.addf %add3A_1090, %mul3A_1094 : vector<256x64xf32>
    %div3A = arith.divf %add3A_1095, %add3A_1093 : vector<256x64xf32>
    %get3A_1096 = arith.constant 0 : index
    %get3A_1097 = arith.constant 0 : index
    %get3A_1098 = vector.load %arg16[%get3A_1096, %get3A_1097] : memref<64x64xf32, #tpu.memory_space<vmem>>, vector<64x64xf32>
    %dot_general3A_1099 = arith.constant dense<0.000000e+00> : vector<256x64xf32>
    %dot_general3A_1100 = tpu.matmul %div3A, %get3A_1098, %dot_general3A_1099 {dimension_numbers = #tpu.dot_dimension_numbers<[1], [0], [0], [1], [0, 0, 1, 1], [], []>, transpose_lhs_hint = false} : vector<256x64xf32>, vector<64x64xf32>, vector<256x64xf32> -> vector<256x64xf32>
    %get3A_1101 = arith.constant 0 : index
    %get3A_1102 = arith.constant 0 : index
    %get3A_1103 = vector.load %arg17[%get3A_1101, %get3A_1102] : memref<1x64xf32, #tpu.memory_space<vmem>>, vector<1x64xf32>
    %add3A_1104 = vector.broadcast %get3A_1103 : vector<1x64xf32> to vector<256x64xf32>
    %add3A_1105 = arith.addf %dot_general3A_1100, %add3A_1104 : vector<256x64xf32>
    %swap3A = arith.constant 0 : index
    %swap3A_1106 = arith.constant 0 : index
    %swap3A_1107 = arith.constant 0 : index
    %swap3A_1108 = vector.load %arg18[%swap3A, %swap3A_1106, %swap3A_1107] : memref<1x256x64xf32, #tpu.memory_space<vmem>>, vector<1x256x64xf32>
    %swap3A_1109 = vector.shape_cast %swap3A_1108 : vector<1x256x64xf32> to vector<256x64xf32>
    %swap3A_1110 = vector.shape_cast %add3A_1105 : vector<256x64xf32> to vector<1x256x64xf32>
    tpu.vector_store %arg18[%swap3A, %swap3A_1106, %swap3A_1107], %swap3A_1110 {strides = array<i32>} : memref<1x256x64xf32, #tpu.memory_space<vmem>>, vector<1x256x64xf32>,
    return
  }
  func.func @transform_0(%arg0: i32, %arg1: i32) -> (i32, i32, i32) {
    %c0_i32 = arith.constant 0 : i32
    %c0_i32_0 = arith.constant 0 : i32
    return %arg0, %arg1, %c0_i32 : i32, i32, i32
  }
  func.func @transform_1(%arg0: i32, %arg1: i32) -> (i32, i32, i32) {
    %c0_i32 = arith.constant 0 : i32
    %c0_i32_0 = arith.constant 0 : i32
    return %arg0, %arg1, %c0_i32 : i32, i32, i32
  }
  func.func @transform_2(%arg0: i32, %arg1: i32) -> (i32, i32, i32) {
    %c0_i32 = arith.constant 0 : i32
    %c0_i32_0 = arith.constant 0 : i32
    return %arg0, %arg1, %c0_i32 : i32, i32, i32
  }
  func.func @transform_3(%arg0: i32, %arg1: i32) -> (i32, i32) {
    %c0_i32 = arith.constant 0 : i32
    %c0_i32_0 = arith.constant 0 : i32
    %c0_i32_1 = arith.constant 0 : i32
    return %c0_i32, %c0_i32_0 : i32, i32
  }
  func.func @transform_4(%arg0: i32, %arg1: i32) -> (i32, i32) {
    %c0_i32 = arith.constant 0 : i32
    %c0_i32_0 = arith.constant 0 : i32
    %c0_i32_1 = arith.constant 0 : i32
    return %c0_i32, %c0_i32_0 : i32, i32
  }
  func.func @transform_5(%arg0: i32, %arg1: i32) -> (i32, i32) {
    %c0_i32 = arith.constant 0 : i32
    %c0_i32_0 = arith.constant 0 : i32
    %c0_i32_1 = arith.constant 0 : i32
    return %c0_i32, %c0_i32_0 : i32, i32
  }
  func.func @transform_6(%arg0: i32, %arg1: i32) -> (i32, i32) {
    %c0_i32 = arith.constant 0 : i32
    %c0_i32_0 = arith.constant 0 : i32
    %c0_i32_1 = arith.constant 0 : i32
    return %c0_i32, %c0_i32_0 : i32, i32
  }
  func.func @transform_7(%arg0: i32, %arg1: i32) -> (i32, i32) {
    %c0_i32 = arith.constant 0 : i32
    %c0_i32_0 = arith.constant 0 : i32
    %c0_i32_1 = arith.constant 0 : i32
    return %c0_i32, %c0_i32_0 : i32, i32
  }
  func.func @transform_8(%arg0: i32, %arg1: i32) -> (i32, i32) {
    %c0_i32 = arith.constant 0 : i32
    %c0_i32_0 = arith.constant 0 : i32
    %c0_i32_1 = arith.constant 0 : i32
    return %c0_i32, %c0_i32_0 : i32, i32
  }
  func.func @transform_9(%arg0: i32, %arg1: i32) -> (i32, i32) {
    %c0_i32 = arith.constant 0 : i32
    %c0_i32_0 = arith.constant 0 : i32
    %c0_i32_1 = arith.constant 0 : i32
    return %c0_i32, %c0_i32_0 : i32, i32
  }
  func.func @transform_10(%arg0: i32, %arg1: i32) -> (i32, i32) {
    %c0_i32 = arith.constant 0 : i32
    %c0_i32_0 = arith.constant 0 : i32
    %c0_i32_1 = arith.constant 0 : i32
    return %c0_i32, %c0_i32_0 : i32, i32
  }
  func.func @transform_11(%arg0: i32, %arg1: i32) -> (i32, i32) {
    %c0_i32 = arith.constant 0 : i32
    %c0_i32_0 = arith.constant 0 : i32
    %c0_i32_1 = arith.constant 0 : i32
    return %c0_i32, %c0_i32_0 : i32, i32
  }
  func.func @transform_12(%arg0: i32, %arg1: i32) -> (i32, i32) {
    %c0_i32 = arith.constant 0 : i32
    %c0_i32_0 = arith.constant 0 : i32
    %c0_i32_1 = arith.constant 0 : i32
    return %c0_i32, %c0_i32_0 : i32, i32
  }
  func.func @transform_13(%arg0: i32, %arg1: i32) -> (i32, i32) {
    %c0_i32 = arith.constant 0 : i32
    %c0_i32_0 = arith.constant 0 : i32
    %c0_i32_1 = arith.constant 0 : i32
    return %c0_i32, %c0_i32_0 : i32, i32
  }
  func.func @transform_14(%arg0: i32, %arg1: i32) -> (i32, i32) {
    %c0_i32 = arith.constant 0 : i32
    %c0_i32_0 = arith.constant 0 : i32
    %c0_i32_1 = arith.constant 0 : i32
    return %c0_i32, %c0_i32_0 : i32, i32
  }
  func.func @transform_15(%arg0: i32, %arg1: i32) -> (i32, i32) {
    %c0_i32 = arith.constant 0 : i32
    %c0_i32_0 = arith.constant 0 : i32
    %c0_i32_1 = arith.constant 0 : i32
    return %c0_i32, %c0_i32_0 : i32, i32
  }
  func.func @transform_16(%arg0: i32, %arg1: i32) -> (i32, i32, i32) {
    %c0_i32 = arith.constant 0 : i32
    %c0_i32_0 = arith.constant 0 : i32
    return %arg0, %arg1, %c0_i32 : i32, i32, i32
  }
}

</mosaic_0001>

<sc_bundles>
// kernel: kernel.5.cloned.1.call-start
scs
__scs_entry_jumppad:
0x0: {  	(pc) =	sbr.rel $0x88, $3  }
0x1: {  	(tag) =	ssettag $0x0;
	lr =	simm.s32 $0x1  }
0x2: {  	[smem:$0x3F92] =	sst lr;
	_ =	strace $0xD0000000  }
0x3: {  	_ = 	snop  }
0x4: {  	_ = 	snop  }
0x5: {  	_ = 	snop  }
0x6: {  	_ = 	snop  }
0x7: {  	_ = 	snop  }
__scs_overlays_trampoline_lowered:
0x8: {  	[smem:$0x3FA1] =	sst s0  }
0x9: {  	[smem:$0x3FA2] =	sst s1  }
0xa: {  	[smem:$0x3FA3] =	sst s2  }
0xb: {  	[smem:$0x3FA4] =	sst s3  }
0xc: {  	[smem:$0x3FA5] =	sst s4  }
0xd: {  	[smem:$0x3FA6] =	sst s5  }
0xe: {  	[smem:$0x3FA7] =	sst s6  }
0xf: {  	[smem:$0x3FA8] =	sst s7  }
0x10: {  	[smem:$0x3FA9] =	sst s8  }
0x11: {  	[smem:$0x3FAA] =	sst s9;
	s0 =	simm.s32 @!p0 $0x0  }
0x12: {  	s1 =	sld [smem:$0x3F90];
	s0 =	simm.s32 @p0 $0x1  }
0x13: {  	[smem:$0x3FAB] =	sst s0;
	s0 =	simm.s32 @!p1 $0x0  }
0x14: {  	s2 =	sld [smem:$0x3F8F];
	s0 =	simm.s32 @p1 $0x1  }
0x15: {  	[smem:$0x3FAC] =	sst s0;
	s0 =	simm.s32 @!p2 $0x0  }
0x16: {  	s3 =	sld [smem:$0x3FDB];
	s0 =	simm.s32 @p2 $0x1  }
0x17: {  	s4 =	simm.s32 $0x1BF5;
	[smem:$0x3FAE] =	sst s0  }
0x18: {  	s0 =	sld [smem:$0x3F91];
	_ =	swait.ge [sflag:s4], $0x0  }
0x19: {  	s7 =	sld [smem:$0x3F92]  }
0x1a: {  	s8 =	sadd.s32 $0xFFFFE003, lr  }
0x1b: {  	s9 =	sadd.s32 $0xFFFFFEF7, lr;
	s5 =	simm.s32 $0xFFFFFFFF;
	p2 =	slt.u32 s8, $0xFFFFF086  }
0x1c: {  	p1 =	slt.u32 s9, $0xF7A;
	s5 =	simm.s32 @!p2 $0x0  }
0x1d: {  	s5 =	simm.s32 @p1 $0x1;
	p0 =	seq.s32 s7, s2  }
0x1e: {  	s7 =	smul.u32 @!p0 $0xF7A, s2;
	p2 =	seq.s32 @!p0 s5, $0x0  }
0x1f: {  	s9 =	smul.u32 $0xF7A, s1;
	s8 =	simm.s32 @!p0 $0x1BF5;
	p2 =	por !p2, p0  }
0x20: {  	[sflag:s8] =	ssyncset.s32 @!p0 $0xFFFFF086;
	s6 =	sadd.s32 @!p0 s3, s7;
	s7 =	simm.s32 @!p0 $0x108  }
0x21: {  	s3 =	sadd.s32 s3, s9;
	s6 =	sadd.s32 @!p0 $0x88, s6;
	s7 =	simm.s32 @p2 $0x1082  }
0x22: {  	[simem:s7], [sflag:s8] =	dma.local @!p0 [hbm:s6], $0xF7A  }
0x23: {  	s9 =	sor.u32 $0xD0000000, s2;
	s6 =	simm.s32 $0x108;
	_ =	swait.ge @!p0 [sflag:s8], $0x0  }
0x24: {  	s3 =	sadd.s32 $0x88, s3;
	s6 =	simm.s32 @!p1 $0x1082;
	[sflag:s4] =	ssyncset.s32 $0xFFFFF086  }
0x25: {  	[simem:s6], [sflag:s4] =	dma.local [hbm:s3], $0xF7A  }
0x26: {  	[smem:$0x3F92] =	sst s1;
	(tag) =	ssettag s2;
	_ =	strace s9  }
0x27: {  	s1 =	sld [smem:$0x3FA2]  }
0x28: {  	s2 =	sld [smem:$0x3FA3]  }
0x29: {  	s4 =	sld [smem:$0x3FA5]  }
0x2a: {  	p0 =	seq.s32 s5, $0x0;
	s5 =	sld [smem:$0x3FA6]  }
0x2b: {  	s6 =	sld [smem:$0x3FA7]  }
0x2c: {  	s7 =	sld [smem:$0x3FA8]  }
0x2d: {  	s3 =	simm.s32 $0x108;
	s8 =	sld [smem:$0x3FA9]  }
0x2e: {  	s3 =	simm.s32 @!p0 $0x1082;
	s9 =	sld [smem:$0x3FAA]  }
0x2f: {  	lr =	sadd.s32 s0, s3;
	s0 =	sld [smem:$0x3FA1]  }
0x30: {  	s3 =	sld [smem:$0x3FA4]  }
0x31: {  	[smem:$0x3FAD] =	sst s10  }
0x32: {  	s10 =	sld [smem:$0x3FAB];
	_ =	sdelay $0x3  }
0x33: {  	p0 =	seq.s32 s10, $0x1;
	s10 =	sld [smem:$0x3FAD];
	_ =	sdelay $0x3  }
0x34: {  	[smem:$0x3FAD] =	sst s10  }
0x35: {  	s10 =	sld [smem:$0x3FAC];
	_ =	sdelay $0x3  }
0x36: {  	p1 =	seq.s32 s10, $0x1;
	s10 =	sld [smem:$0x3FAD];
	_ =	sdelay $0x3  }
0x37: {  	[smem:$0x3FAD] =	sst s10  }
0x38: {  	s10 =	sld [smem:$0x3FAE]  }
0x39: {  	_ = 	snop;
	(pc) =	sbr.ind lr, $3  }
0x3a: {  	_ = 	snop  }
0x3b: {  	_ = 	snop  }
0x3c: {  	p2 =	seq.s32 s10, $0x1;
	s10 =	sld [smem:$0x3FAD]  }
0x3d: {  	_ =	shalt  }
0x3e: {  	_ =	shalt  }
0x3f: {  	_ =	shalt  }
0x40: {  	_ =	shalt  }
0x41: {  	_ =	shalt  }
0x42: {  	_ =	shalt  }
0x43: {  	_ =	shalt  }
0x44: {  	_ =	shalt  }
0x45: {  	_ =	shalt  }
0x46: {  	_ =	shalt  }
0x47: {  	_ =	shalt  }
0x48: {  	_ =	shalt  }
0x49: {  	_ =	shalt  }
0x4a: {  	_ =	shalt  }
0x4b: {  	_ =	shalt  }
0x4c: {  	_ =	shalt  }
0x4d: {  	_ =	shalt  }
0x4e: {  	_ =	shalt  }
0x4f: {  	_ =	shalt  }
0x50: {  	_ =	shalt  }
0x51: {  	_ =	shalt  }
0x52: {  	_ =	shalt  }
0x53: {  	_ =	shalt  }
0x54: {  	_ =	shalt  }
0x55: {  	_ =	shalt  }
0x56: {  	_ =	shalt  }
0x57: {  	_ =	shalt  }
0x58: {  	_ =	shalt  }
0x59: {  	_ =	shalt  }
0x5a: {  	_ =	shalt  }
0x5b: {  	_ =	shalt  }
0x5c: {  	_ =	shalt  }
0x5d: {  	_ =	shalt  }
0x5e: {  	_ =	shalt  }
0x5f: {  	_ =	shalt  }
0x60: {  	_ =	shalt  }
0x61: {  	_ =	shalt  }
0x62: {  	_ =	shalt  }
0x63: {  	_ =	shalt  }
0x64: {  	_ =	shalt  }
0x65: {  	_ =	shalt  }
0x66: {  	_ =	shalt  }
0x67: {  	_ =	shalt  }
0x68: {  	_ =	shalt  }
0x69: {  	_ =	shalt  }
0x6a: {  	_ =	shalt  }
0x6b: {  	_ =	shalt  }
0x6c: {  	_ =	shalt  }
0x6d: {  	_ =	shalt  }
0x6e: {  	_ =	shalt  }
0x6f: {  	_ =	shalt  }
0x70: {  	_ =	shalt  }
0x71: {  	_ =	shalt  }
0x72: {  	_ =	shalt  }
0x73: {  	_ =	shalt  }
0x74: {  	_ =	shalt  }
0x75: {  	_ =	shalt  }
0x76: {  	_ =	shalt  }
0x77: {  	_ =	shalt  }
0x78: {  	_ =	shalt  }
0x79: {  	_ =	shalt  }
0x7a: {  	_ =	shalt  }
0x7b: {  	_ =	shalt  }
0x7c: {  	_ =	shalt  }
0x7d: {  	_ =	shalt  }
0x7e: {  	_ =	shalt  }
0x7f: {  	_ =	shalt  }
0x80: {  	_ =	shalt  }
0x81: {  	_ =	shalt  }
0x82: {  	_ =	shalt  }
0x83: {  	_ =	shalt  }
0x84: {  	_ =	shalt  }
0x85: {  	_ =	shalt  }
0x86: {  	_ =	shalt  }
0x87: {  	_ =	shalt  }
.Lfunc_end0:
.L_simem_size_0:
called_computation_lowered:
.L_overlay_start_0:
0x88: {  	s2 =	sld [smem:$0x3FD9]  }
0x89: {  	s3 =	sld [smem:$0x3FFE];
	_ =	sdelay $0x1  }
0x8a: {  	s1 =	srdreg.scid  }
0x8b: {  	s0 =	sand.u32 $0x1, s1  }
0x8c: {  	s17 =	sshll.u32 s0, $0xA;
	s2 =	sadd.s32 s3, s2  }
0x8d: {  	s2 =	sadd.s32 s2, s17  }
0x8e: {  	[smem:$0x3FB9] =	sst s2  }
0x8f: {  	_ = 	snop  }
0x90: {  	s2 =	sld [smem:$0x3FD0];
	(tm) =	ssettm $0x1  }
0x91: {  	s18 =	sld [smem:$0x3FFB];
	_ =	sdelay $0x3  }
0x92: {  	_ =	strace s18  }
0x93: {  	s3 =	sld [smem:$0x3FFC];
	_ =	sdelay $0x3  }
0x94: {  	_ =	strace s3  }
0x95: {  	s3 =	sld [smem:$0x3FFD];
	_ =	sdelay $0x3  }
0x96: {  	_ =	strace s3  }
0x97: {  	_ =	strace $0x8FFFFFFF  }
0x98: {  	s19 =	sld [smem:$0x3FDB];
	_ =	sdelay $0x1  }
0x99: {  	s4 =	simm.s32 $_scs_section_size  }
0x9a: {  	s5 =	simm.s32 $_size__tile_overlayer_lowered;
	s6 =	simm.s32 $_tile_overlayer_lowered  }
0x9b: {  	s22 =	simm.s32 $0x1BFF;
	s21 =	sshll.u32 s6, $0x1;
	s3 =	sadd.s32 s4, s19  }
0x9c: {  	s7 =	simm.s32 $0x0;
	s20 =	sshll.u32 s5, $0x1;
	s5 =	sadd.s32 s21, s3  }
0x9d: {  	[timem:s7], [sflag:s22] =	dma.local [hbm:s5], s20  }
0x9e: {  	_ =	swait.ge [sflag:s22], s20  }
0x9f: {  	s4 =	ssub.s32 $0x0, s20;
	[sflag:s22] =	ssyncset.done $0x0  }
0xa0: {  	[sflag:s22] =	ssyncadd.s32 s4;
	_ =	sdelay $0x1  }
0xa1: {  	s23 =	simm.s32 $0x1B8B  }
0xa2: {  	_ =	swait.ge [sflag:s23], $0x1  }
0xa3: {  	[sflag:s23] =	ssyncset.done $0x0  }
0xa4: {  	s25 =	simm.s32 $0x1B8E;
	s24 =	sld [smem:$0x3FFE];
	[sflag:s23] =	ssyncadd.s32 $0xFFFFFFFF  }
0xa5: {  	s26 =	simm.s32 $execute0_lowered;
	[smem:$0x3FD2] =	sst s25  }
0xa6: {  	s5 =	sshll.u32 s26, $0x1;
	_ =	strace $0x80000046;
	[dreg:$0x1] =	wrdreg $0xFFFFFFFF  }
0xa7: {  	s28 =	simm.s32 $_size_execute0_lowered;
	s3 =	sadd.s32 s3, s5;
	[dreg:$0x0] =	wrdreg $0x0  }
0xa8: {  	s5 =	sshll.u32 s28, $0x1;
	[dreg:$0x2] =	wrdreg s3  }
0xa9: {  	[dreg:$0x3] =	wrdreg s5  }
0xaa: {  	[dreg:$0x4] =	wrdreg $0xC0  }
0xab: {  	_ =	task [dreg:s7], $0x5FFFF  }
0xac: {  	[dreg:$0x1] =	wrdreg $0xFFFFFFFF  }
0xad: {  	[dreg:$0x0] =	wrdreg $0x60  }
0xae: {  	[dreg:$0x2] =	wrdreg s24  }
0xaf: {  	[dreg:$0x3] =	wrdreg s2  }
0xb0: {  	[dreg:$0x4] =	wrdreg $0x9  }
0xb1: {  	_ =	task.clear_ibuf [dreg:s7], $0x5FFFF;
	_ =	strace $0x90000046  }
0xb2: {  	s29 =	simm.s32 $0x9;
	_ =	strace $0x80000048  }
0xb3: {  	_ =	swait.ge [sflag:s29], $0x1  }
0xb4: {  	[sflag:s29] =	ssyncadd.s32 $0xFFFFFFFF  }
0xb5: {  	_ =	strace $0x90000048  }
0xb6: {  	_ =	sfence  }
0xb7: {  	s30 =	sld [smem:$0x0];
	_ =	sdelay $0x2  }
0xb8: {  	s31 =	sshll.u32 s1, $0xD;
	s1 =	sshrl.u32 s1, $0x2  }
0xb9: {  	s3 =	sand.u32 $0x4000, s31;
	s1 =	sadd.s32 s1, s30  }
0xba: {  	s0 =	sor.u32 s3, s0;
	s1 =	sshll.u32 s1, $0x11  }
0xbb: {  	s0 =	sor.u32 s1, s0  }
0xbc: {  	s0 =	sadd.s32 $0x8F2B, s0  }
0xbd: {  	[sflag:s0] =	ssyncadd.remote.s32 $0x1  }
0xbe: {  	_ =	sfence.sel $0xFFFF  }
0xbf: {  	[dreg:$0x0] =	wrdreg $0xFFFFFFFF;
	(pc) =	sbr.abs _section_cstart, $3  }
0xc0: {  	[dreg:$0x1] =	wrdreg $0xFFFFFFFF  }
0xc1: {  	_ =	task.clear_ibuf [dreg:s7], $0x2FFFF;
	_ =	strace $0x9FFFFFFF  }
0xc2: {  	(tm) =	ssettm $0x7FFFFFFF  }
0xc3: {  	_ =	shalt  }
tec
execute0_lowered:
.L_overlay_start_1:
0x0: {  	(tag) =	ssettag $0x1  }
0x1: {  	s4 =	rddreg [dreg:$0x0]  }
0x2: {  	s6 =	rddreg [dreg:$0x1]  }
0x3: {  	s0 =	rddreg [dreg:$0x2];
	s2 =	simm.s32 $0x0;
	s1 =	stileid.u32  }
0x4: {  	s3 =	srdreg.scid;
	[smem:$0x7FF] =	sst s2  }
0x5: {  	s5 =	sshll.u32 s1, $0x12;
	s7 =	sand.u32 $0x1, s3;
	s3 =	sadd.s32 $0x42200, s4  }
0x6: {  	s9 =	sshll.u32 s1, $0xE;
	_ =	strace $0x80000047;
	s5 =	sadd.s32 s5, s4  }
0x7: {  	s29 =	ssub.s32 $0x2, s7;
	s10 =	sshll.u32 s7, $0xD;
	s7 =	sshll.u32 s7, $0x11  }
0x8: {  	s8 =	sshrl.u32 s29, $0x1;
	s30 =	sor.u32 s10, s9;
	s5 =	sadd.s32 s7, s5  }
0x9: {  	s7 =	simm.s32 $0x2;
	s9 =	simm.s32 $0x1;
	s10 =	simm.s32 $0x0  }
0xa: {  	s4 =	ssub.s32 s29, s8;
	s31 =	sshrl.u32 s30, $0x3;
	s5 =	sadd.s32 $0x82200, s5  }
0xb: {  	s8 =	simm.s32 $0x80;
	s4 =	smax.u32 s4, $0x1;
	s6 =	sadd.s32 s31, s6  }
.LBB2_1:
0xc: {  	s11 =	sadd.s32 $0x0, s6  }
0xd: {  	[tilespmem:s2], [sflag:$0x2] =	stream.linear.gather [hbm4b:s11+s2], $0x80, $0x38;
	[tilespmem:$0x4080] =	vst v63  }
0xe: {  	_ =	swait.ge [sflag:s7], $0x80  }
0xf: {  	[sflag:s7] =	ssyncset.done $0x0  }
0x10: {  	[sflag:s7] =	ssyncadd.s32 $0xFFFFFF80  }
0x11: {  	[tilespmem:s8], [sflag:$0x1] =	stream.indirect.gather [hbm4b:s3+s8], $0x80, s2, s8, $0xb8;
	[tilespmem:$0x4080] =	vst v63  }
0x12: {  	_ =	swait.ge [sflag:s9], $0x4000  }
0x13: {  	[sflag:s9] =	ssyncset.done $0x0  }
0x14: {  	[sflag:s9] =	ssyncadd.s32 $0xFFFFC000  }
0x15: {  	[hbm4b:s5+s2] =	stream.linear.scatter [tilespmem:s8], [sflag:$0x2], $0x4000, $0x38;
	[tilespmem:$0x4080] =	vst v63  }
0x16: {  	s12 =	simm.s32 $0x10;
	_ =	swait.ge [sflag:s7], $0x4000  }
0x17: {  	s13 =	simm.s32 $0x20;
	s11 =	sadd.s32 $0x800, s5;
	[sflag:s7] =	ssyncset.done $0x0  }
.LBB2_2:
0x18: {  	s14 =	sadd.s32 s12, s6  }
0x19: {  	[sflag:s7] =	ssyncadd.s32 $0xFFFFC000;
	s12 =	smov.u32 s13;
	s15 =	sadd.s32 $0x10, s13  }
0x1a: {  	[tilespmem:s2], [sflag:$0x2] =	stream.linear.gather [hbm4b:s14+s2], $0x80, $0x38;
	[tilespmem:$0x4080] =	vst v63  }
0x1b: {  	p0 =	sne.s32 s13, $0x3F0;
	_ =	swait.ge [sflag:s7], $0x80  }
0x1c: {  	[sflag:s7] =	ssyncset.done $0x0  }
0x1d: {  	[sflag:s7] =	ssyncadd.s32 $0xFFFFFF80  }
0x1e: {  	[tilespmem:s8], [sflag:$0x1] =	stream.indirect.gather [hbm4b:s3+s8], $0x80, s2, s8, $0xb8;
	[tilespmem:$0x4080] =	vst v63  }
0x1f: {  	_ =	swait.ge [sflag:s9], $0x4000  }
.Ltmp0:
0x20: {  	[sflag:s9] =	ssyncset.done $0x0;
	(pc) =	sbr.rel @p0 .LBB2_2-.Ltmp0, $4  }
0x21: {  	[sflag:s9] =	ssyncadd.s32 $0xFFFFC000  }
0x22: {  	[hbm4b:s11+s2] =	stream.linear.scatter [tilespmem:s8], [sflag:$0x2], $0x4000, $0x38;
	[tilespmem:$0x4080] =	vst v63  }
0x23: {  	_ =	swait.ge [sflag:s7], $0x4000  }
0x24: {  	s13 =	smov.u32 s15;
	s11 =	sadd.s32 $0x800, s11;
	[sflag:s7] =	ssyncset.done $0x0  }
0x25: {  	s12 =	sadd.s32 s12, s6;
	[sflag:s7] =	ssyncadd.s32 $0xFFFFC000  }
0x26: {  	[tilespmem:s2], [sflag:$0x2] =	stream.linear.gather [hbm4b:s12+s2], $0x80, $0x38;
	[tilespmem:$0x4080] =	vst v63  }
0x27: {  	_ =	swait.ge [sflag:s7], $0x80  }
0x28: {  	[sflag:s7] =	ssyncset.done $0x0  }
0x29: {  	[sflag:s7] =	ssyncadd.s32 $0xFFFFFF80  }
0x2a: {  	[tilespmem:s8], [sflag:$0x1] =	stream.indirect.gather [hbm4b:s3+s8], $0x80, s2, s8, $0xb8;
	[tilespmem:$0x4080] =	vst v63  }
0x2b: {  	s10 =	sadd.s32 $0x1, s10;
	_ =	swait.ge [sflag:s9], $0x4000  }
0x2c: {  	p0 =	sne.s32 s10, s4;
	[sflag:s9] =	ssyncset.done $0x0  }
.Ltmp1:
0x2d: {  	[sflag:s9] =	ssyncadd.s32 $0xFFFFC000;
	(pc) =	sbr.rel @p0 .LBB2_1-.Ltmp1, $4  }
0x2e: {  	[hbm4b:s11+s2] =	stream.linear.scatter [tilespmem:s8], [sflag:$0x2], $0x4000, $0x38;
	[tilespmem:$0x4080] =	vst v63  }
0x2f: {  	_ =	swait.ge [sflag:s7], $0x4000  }
0x30: {  	[sflag:s7] =	ssyncset.done $0x0  }
0x31: {  	[sflag:s7] =	ssyncadd.s32 $0xFFFFC000  }
0x32: {  	_ =	sfence.sel $0x180000  }
0x33: {  	[bflag:$0x0] =	sbarrier.arrive $0xFFFF  }
0x34: {  	p0 =	sne.s32 s1, $0x0;
	_ =	strace $0x90000047  }
0x35: {  	s0 =	sadd.s32 @!p0 $0x100000, s0;
	[bflag:$0x2] =	sbarrier.arrive $0xFFFF  }
0x36: {  	[sflag:s0] =	ssyncadd.tile.s32 @!p0 $0x1;
	_ =	shalt  }
.Lfunc_end2:
_tile_overlayer_lowered:
.L_overlay_start_2:
0x37: {  	(tag) =	ssettag $0x2  }
0x38: {  	s0 =	rddreg [dreg:$0x0];
	s2 =	stileid.u32  }
0x39: {  	s1 =	rddreg [dreg:$0x1];
	p0 =	sne.s32 s2, $0x0  }
0x3a: {  	s3 =	rddreg [dreg:$0x2];
	[bflag:$0x3] =	sbarrier.arrive $0xFFFF;
	s2 =	simm.s32 @!p0 $0x1C02  }
0x3b: {  	[timem:s3], [sflag:s2] =	dma.local @!p0 [hbm:s0], s1  }
0x3c: {  	s0 =	simm.s32 @!p0 $0x2  }
0x3d: {  	_ =	swait.ge @!p0 [sflag:s0], s1  }
0x3e: {  	s1 =	ssub.s32 @!p0 $0x0, s1;
	[sflag:s0] =	ssyncset.done @!p0 $0x0  }
0x3f: {  	[sflag:s0] =	ssyncadd.s32 @!p0 s1  }
0x40: {  	[bflag:$0x3] =	sbarrier.arrive $0xFFFF  }
0x41: {  	_ =	shalt  }

</sc_bundles>
